<compile_context>
chip_gen: v7x
topology: tpu7x:2x2x1
jax: 0.10.2.dev20260603
libtpu: 0.0.44.dev20260713+nightly
codegen_flags: <defaults>
</compile_context>

<pallas_src>
import functools

import jax
import jax.numpy as jnp
from jax import lax
from jax.experimental import pallas as pl
from jax.experimental.pallas import tpu as pltpu
from jax.experimental.pallas import tpu_sc as plsc

B = 1024
V = 100
CARD = 1000
D = 128
HID = 128
N = 50
E = 500

_NC = 2
_NS = 16
_NW = _NC * _NS
_NSPLIT = 2
_BS = B // _NSPLIT
_ROWS = _BS * V
_RPW = _ROWS // _NW
_CH = 80
_NCHUNK = _RPW // _CH

_EPAD = 640
_BT = 128
_NP = 64


def _sc_gather_body(table_hbm, idx_hbm, out_hbm, idx_v, buf0, buf1, sem0, sem1):
    wid = lax.axis_index("s") * _NC + lax.axis_index("c")
    base = wid * _RPW
    pltpu.sync_copy(idx_hbm.at[wid], idx_v)

    def start(k, buf, sem):
        pltpu.async_copy(table_hbm.at[idx_v.at[k]], buf, sem)

    def drain_and_store(k, buf, sem):
        pltpu.make_async_copy(table_hbm.at[idx_v.at[k]], buf, sem).wait()
        pltpu.sync_copy(buf, out_hbm.at[pl.ds(base + k * _CH, _CH)])

    start(0, buf0, sem0)

    def body(j, carry):
        k0 = 2 * j
        start(k0 + 1, buf1, sem1)
        drain_and_store(k0, buf0, sem0)

        @pl.when(j < _NCHUNK // 2 - 1)
        def _():
            start(k0 + 2, buf0, sem0)

        drain_and_store(k0 + 1, buf1, sem1)
        return carry

    lax.fori_loop(0, _NCHUNK // 2, body, 0)


@functools.cache
def _sc_gather():
    return functools.partial(
        pl.kernel,
        out_type=jax.ShapeDtypeStruct((_ROWS, D), jnp.float32),
        mesh=plsc.VectorSubcoreMesh(core_axis_name="c", subcore_axis_name="s"),
        scratch_types=[
            pltpu.VMEM((_NCHUNK, _CH), jnp.int32),
            pltpu.VMEM((_CH, D), jnp.float32),
            pltpu.VMEM((_CH, D), jnp.float32),
            pltpu.SemaphoreType.DMA,
            pltpu.SemaphoreType.DMA,
        ],
    )(_sc_gather_body)


def _tc_body(src_ref, dst_ref, att_ref,
             W_z, W_r, W_h, Wl_z, Wl_r, Wl_h,
             bz_ref, br_ref, bh_ref, blz_ref, blr_ref, blh_ref,
             Wc1, bc1, Wc2, bc2, xg_ref, out_ref):
    f32 = jnp.float32

    nodes = lax.broadcasted_iota(jnp.int32, (_NP, _EPAD), 0)
    one_src = (nodes == src_ref[...]).astype(f32)
    one_dst = (nodes == dst_ref[...]).astype(f32)
    deg = jnp.sum(one_dst, axis=1, keepdims=True)
    dinv = jnp.where(deg > 0, lax.rsqrt(deg), 0.0)
    dinv_src = jnp.sum(one_src * dinv, axis=0, keepdims=True)
    dinv_dst = jnp.sum(one_dst * dinv, axis=0, keepdims=True)
    norm = dinv_src * dinv_dst
    A = jnp.dot(one_dst * norm, one_src.T,
                preferred_element_type=f32)[:N, :N]

    Wz_t, Wz_b = Wl_z[:HID], Wl_z[HID:]
    Wr_t, Wr_b = Wl_r[:HID], Wl_r[HID:]
    Wh_t, Wh_b = Wl_h[:HID], Wl_h[HID:]
    Wz_e = jnp.dot(W_z[...], Wz_t, preferred_element_type=f32)
    Wr_e = jnp.dot(W_r[...], Wr_t, preferred_element_type=f32)
    Wh_e = jnp.dot(W_h[...], Wh_t, preferred_element_type=f32)
    bz_e = jnp.dot(bz_ref[...], Wz_t, preferred_element_type=f32) + blz_ref[...]
    br_e = jnp.dot(br_ref[...], Wr_t, preferred_element_type=f32) + blr_ref[...]
    bh_e = jnp.dot(bh_ref[...], Wh_t, preferred_element_type=f32) + blh_ref[...]

    bf16 = jnp.bfloat16
    Abf = A.astype(bf16)
    X = xg_ref[...]
    X0 = X[:N].astype(bf16).reshape(N, _BT * D)
    X1 = X[N:].astype(bf16).reshape(N, _BT * D)

    W0cat = jnp.concatenate([Wz_e, Wh_e], axis=1).astype(bf16)
    AX0 = jnp.dot(Abf, X0, preferred_element_type=f32
                  ).astype(bf16).reshape(N * _BT, D)
    C0 = jnp.dot(AX0, W0cat, preferred_element_type=f32)
    Z0 = jax.nn.sigmoid(C0[:, :HID] + bz_e)
    T0 = jnp.tanh(C0[:, HID:] + bh_e)
    H1 = (1.0 - Z0) * T0

    W1cat = jnp.concatenate([Wz_e, Wr_e, Wh_e], axis=1).astype(bf16)
    Wbcat = jnp.concatenate([Wz_b, Wr_b], axis=1).astype(bf16)
    AX1 = jnp.dot(Abf, X1, preferred_element_type=f32
                  ).astype(bf16).reshape(N * _BT, D)
    C1 = jnp.dot(AX1, W1cat, preferred_element_type=f32)
    H1bf = H1.astype(bf16)
    D1 = jnp.dot(H1bf, Wbcat, preferred_element_type=f32)
    Z1 = jax.nn.sigmoid(C1[:, :HID] + D1[:, :HID] + bz_e)
    R1 = jax.nn.sigmoid(C1[:, HID:2 * HID] + D1[:, HID:] + br_e)
    T1 = jnp.tanh(C1[:, 2 * HID:]
                  + jnp.dot((R1 * H1).astype(bf16), Wh_b.astype(bf16),
                            preferred_element_type=f32) + bh_e)
    H2 = Z1 * H1 + (1.0 - Z1) * T1

    e = jnp.exp(att_ref[...])
    p = e / jnp.sum(e)
    Hacc = p[0:1, 0:1] * H1 + p[0:1, 1:2] * H2
    pooled = jnp.sum(Hacc.reshape(N, _BT, HID), axis=0) * (1.0 / N)
    hid = jax.nn.relu(jnp.dot(pooled, Wc1[...], preferred_element_type=f32)
                      + bc1[...])
    out_ref[...] = jnp.dot(hid, Wc2[...], preferred_element_type=f32) + bc2[...]


def _full_spec(shape):
    return pl.BlockSpec(shape, lambda i: tuple(0 for _ in shape))


def kernel(x_batch, LOS_batch, template_edge_index, device, emb_table,
           W_z, b_conv_z, W_r, b_conv_r, W_h, b_conv_h,
           Wl_z, bl_z, Wl_r, bl_r, Wl_h, bl_h, att, Wc1, bc1, Wc2, bc2):
    offs = (jnp.arange(V, dtype=jnp.int32) * CARD)[:, None]
    idxT = x_batch.astype(jnp.int32).T + offs

    loops = jnp.arange(N, dtype=jnp.int32)
    pad = jnp.full((_EPAD - E - N,), _NP - 1, jnp.int32)
    src = jnp.concatenate([template_edge_index[0].astype(jnp.int32), loops, pad])
    dst = jnp.concatenate([template_edge_index[1].astype(jnp.int32), loops, pad])

    tc_call = pl.pallas_call(
        _tc_body,
        grid=(_BS // _BT,),
        in_specs=[
            _full_spec((1, _EPAD)),
            _full_spec((1, _EPAD)),
            _full_spec((1, 2)),
            _full_spec((D, HID)), _full_spec((D, HID)), _full_spec((D, HID)),
            _full_spec((2 * HID, HID)), _full_spec((2 * HID, HID)),
            _full_spec((2 * HID, HID)),
            _full_spec((1, HID)), _full_spec((1, HID)), _full_spec((1, HID)),
            _full_spec((1, HID)), _full_spec((1, HID)), _full_spec((1, HID)),
            _full_spec((HID, 2 * HID)), _full_spec((1, 2 * HID)),
            _full_spec((2 * HID, 1)), _full_spec((1, 1)),
            pl.BlockSpec((2 * N, _BT, D), lambda i: (0, i, 0)),
        ],
        out_specs=pl.BlockSpec((_BT, 1), lambda i: (i, 0)),
        out_shape=jax.ShapeDtypeStruct((_BS, 1), jnp.float32),
        compiler_params=pltpu.CompilerParams(
            dimension_semantics=("parallel",)),
    )

    sc = _sc_gather()
    parts = []
    for s in range(_NSPLIT):
        idx_s = idxT[:, s * _BS:(s + 1) * _BS].reshape(_NW, _NCHUNK, _CH)
        xg = sc(emb_table, idx_s).reshape(2 * N, _BS, D)
        parts.append(tc_call(
            src[None, :], dst[None, :], att[None, :].astype(jnp.float32),
            W_z, W_r, W_h, Wl_z, Wl_r, Wl_h,
            b_conv_z[None, :], b_conv_r[None, :], b_conv_h[None, :],
            bl_z[None, :], bl_r[None, :], bl_h[None, :],
            Wc1, bc1[None, :], Wc2, bc2[None, :], xg))
    return jnp.concatenate(parts, axis=0)

# --- scband reference (transcript-rebuilt; emitter-appended) ---
"""Pipeline reference for scband-a3-tgcn-2-points-2602750181389 (READ-ONLY COPY).

The authoritative reference and input builder live on the scoring server;
editing this copy changes nothing except your own understanding.
"""

import jax, jax.numpy as jnp
import numpy as np

B = 1024; V = 100; NC = 101; CARD = 1000; D = 128; HID = 128; N = 50; E = 500


def setup_inputs(seed: int = 0) -> dict:
    key = jax.random.key(seed)
    ks = jax.random.split(key, 24)

    def lin(k, i, o):
        return (jax.random.normal(k, (i, o), dtype=jnp.float32) / np.sqrt(i)).astype(jnp.float32)

    inp = {}
    inp["x_batch"] = jax.random.randint(ks[0], (B, V), 0, CARD)
    inp["LOS_batch"] = jax.random.randint(ks[1], (B,), 0, CARD)
    inp["template_edge_index"] = jax.random.randint(ks[2], (2, E), 0, N)
    inp["device"] = 0
    inp["emb_table"] = jax.random.normal(ks[3], (NC * CARD, D), dtype=jnp.float32) * 0.02
    inp["W_z"] = lin(ks[4], D, HID); inp["b_conv_z"] = jnp.zeros((HID,), jnp.float32)
    inp["W_r"] = lin(ks[5], D, HID); inp["b_conv_r"] = jnp.zeros((HID,), jnp.float32)
    inp["W_h"] = lin(ks[6], D, HID); inp["b_conv_h"] = jnp.zeros((HID,), jnp.float32)
    inp["Wl_z"] = lin(ks[7], 2 * HID, HID); inp["bl_z"] = jnp.zeros((HID,), jnp.float32)
    inp["Wl_r"] = lin(ks[8], 2 * HID, HID); inp["bl_r"] = jnp.zeros((HID,), jnp.float32)
    inp["Wl_h"] = lin(ks[9], 2 * HID, HID); inp["bl_h"] = jnp.zeros((HID,), jnp.float32)
    inp["att"] = jax.random.normal(ks[10], (2,), dtype=jnp.float32) * 0.1
    inp["Wc1"] = lin(ks[11], HID, 2 * HID); inp["bc1"] = jnp.zeros((2 * HID,), jnp.float32)
    inp["Wc2"] = lin(ks[12], 2 * HID, 1); inp["bc2"] = jnp.zeros((1,), jnp.float32)
    return inp


def reference(x_batch, LOS_batch, template_edge_index, device, emb_table, W_z, b_conv_z, W_r, b_conv_r, W_h, b_conv_h, Wl_z, bl_z, Wl_r, bl_r, Wl_h, bl_h, att, Wc1, bc1, Wc2, bc2):
    # entity embedding: per-column tables concatenated with offsets (each column has CARD categories)
    x_comb = jnp.concatenate([x_batch, LOS_batch[:, None]], axis=1)  # [B, NC]
    flat_idx = x_comb + (jnp.arange(NC) * CARD)[None, :]
    x_emb = jnp.take(emb_table, flat_idx, axis=0)  # [B, NC, D]
    # dual_time_stamp: admission cols 0..N-1, discharge cols N..2N-1 -> [B, N, D, 2]
    x_temporal = jnp.stack([x_emb[:, :N, :], x_emb[:, N:2 * N, :]], axis=-1)
    # GCN normalization with self loops
    src = jnp.concatenate([template_edge_index[0], jnp.arange(N)])
    dst = jnp.concatenate([template_edge_index[1], jnp.arange(N)])
    deg = jax.ops.segment_sum(jnp.ones_like(src, dtype=jnp.float32), dst, num_segments=N)
    dinv = jnp.where(deg > 0, deg ** -0.5, 0.0)
    norm = dinv[src] * dinv[dst]

    def gcn(X, W, b):
        Xw = jnp.einsum('bnf,fh->bnh', X, W)
        msg = jnp.take(jnp.swapaxes(Xw, 0, 1), src, axis=0) * norm[:, None, None]
        agg = jax.ops.segment_sum(msg, dst, num_segments=N)
        return jnp.swapaxes(agg, 0, 1) + b

    def tgcn_cell(X, Hp):
        Z = jax.nn.sigmoid(jnp.concatenate([gcn(X, W_z, b_conv_z), Hp], axis=-1) @ Wl_z + bl_z)
        R = jax.nn.sigmoid(jnp.concatenate([gcn(X, W_r, b_conv_r), Hp], axis=-1) @ Wl_r + bl_r)
        Ht = jnp.tanh(jnp.concatenate([gcn(X, W_h, b_conv_h), R * Hp], axis=-1) @ Wl_h + bl_h)
        return Z * Hp + (1.0 - Z) * Ht

    probs = jax.nn.softmax(att)
    Hs = jnp.zeros((B, N, HID), jnp.float32)
    Hacc = jnp.zeros((B, N, HID), jnp.float32)
    for t in range(2):
        Hs = tgcn_cell(x_temporal[..., t], Hs)
        Hacc = Hacc + probs[t] * Hs
    pooled = jnp.mean(Hacc, axis=1)
    hid = jax.nn.relu(pooled @ Wc1 + bc1)
    return hid @ Wc2 + bc2

if __name__ == "__main__":
    import jax
    _d = setup_inputs()
    print(jax.jit(kernel)(*tuple(_d.values())))

</pallas_src>

<mosaic_0001>
#map = affine_map<(d0, d1) -> (0, 0)>
#map1 = affine_map<(d0, d1) -> (0, 0, 0)>
module attributes {stable_mosaic.version = 14 : i64} {
  func.func @_sc_gather_body(%arg0: i32, %arg1: i32, %arg2: memref<101000x128xf32, #tpu.memory_space<hbm>>, %arg3: memref<32x20x80xi32, #tpu.memory_space<hbm>>, %arg4: memref<51200x128xf32, #tpu.memory_space<hbm>>, %arg5: memref<20x80xi32, #tpu.memory_space<vmem>>, %arg6: memref<80x128xf32, #tpu.memory_space<vmem>>, %arg7: memref<80x128xf32, #tpu.memory_space<vmem>>, %arg8: memref<!tpu.dma_semaphore, #tpu.memory_space<semaphore_mem>>, %arg9: memref<!tpu.dma_semaphore, #tpu.memory_space<semaphore_mem>>) attributes {dimension_semantics = [#tpu.dimension_semantics<core_parallel>, #tpu.dimension_semantics<subcore_parallel>], iteration_bounds = array<i64: 2, 16>, scalar_prefetch = 0 : i64, scratch_operands = 5 : i64, tpu.core_type = #tpu.core_type<sc_vector_subcore>, window_params = [{transform_indices = #map}, {transform_indices = #map1}, {transform_indices = #map}]} {
    %mul3A = arith.constant 2 : i32
    %mul3A_0 = arith.muli %arg1, %mul3A : i32
    %add3A = arith.addi %mul3A_0, %arg0 : i32
    %mul3A_1 = arith.constant 1600 : i32
    %mul3A_2 = arith.muli %add3A, %mul3A_1 : i32
    "tpu.region"() ({
      %run_scoped3A = tpu.sem_alloc : memref<!tpu.dma_semaphore, #tpu.memory_space<semaphore_mem>>
      %dma_start3A_14 = arith.constant 0 : i32
      %dma_start3A_15 = arith.constant 0 : i32
      %dma_start3A_16 = tpu.memref_slice %arg3[%add3A, %dma_start3A_14, %dma_start3A_15] : memref<32x20x80xi32, #tpu.memory_space<hbm>> -> memref<1x20x80xi32, #tpu.memory_space<hbm>>
      %dma_start3A_17 = tpu.memref_squeeze %dma_start3A_16 : memref<1x20x80xi32, #tpu.memory_space<hbm>> -> memref<20x80xi32, #tpu.memory_space<hbm>>
      %dma_start3A_18 = arith.constant 0 : i32
      %dma_start3A_19 = arith.constant 0 : i32
      %dma_start3A_20 = tpu.memref_slice %arg3[%add3A, %dma_start3A_18, %dma_start3A_19] : memref<32x20x80xi32, #tpu.memory_space<hbm>> -> memref<1x20x80xi32, #tpu.memory_space<hbm>>
      %dma_start3A_21 = tpu.memref_squeeze %dma_start3A_20 : memref<1x20x80xi32, #tpu.memory_space<hbm>> -> memref<20x80xi32, #tpu.memory_space<hbm>>
      tpu.enqueue_dma source(%dma_start3A_21 : memref<20x80xi32, #tpu.memory_space<hbm>>) target(%arg5 : memref<20x80xi32, #tpu.memory_space<vmem>>) target_semaphore(%run_scoped3A : memref<!tpu.dma_semaphore, #tpu.memory_space<semaphore_mem>>)
      %dma_wait3A = arith.constant 0 : i32
      %dma_wait3A_22 = arith.constant 0 : i32
      %dma_wait3A_23 = tpu.memref_slice %arg3[%add3A, %dma_wait3A, %dma_wait3A_22] : memref<32x20x80xi32, #tpu.memory_space<hbm>> -> memref<1x20x80xi32, #tpu.memory_space<hbm>>
      %dma_wait3A_24 = tpu.memref_squeeze %dma_wait3A_23 : memref<1x20x80xi32, #tpu.memory_space<hbm>> -> memref<20x80xi32, #tpu.memory_space<hbm>>
      %dma_wait3A_25 = arith.constant 0 : i32
      %dma_wait3A_26 = arith.constant 0 : i32
      %dma_wait3A_27 = tpu.memref_slice %arg3[%add3A, %dma_wait3A_25, %dma_wait3A_26] : memref<32x20x80xi32, #tpu.memory_space<hbm>> -> memref<1x20x80xi32, #tpu.memory_space<hbm>>
      %dma_wait3A_28 = tpu.memref_squeeze %dma_wait3A_27 : memref<1x20x80xi32, #tpu.memory_space<hbm>> -> memref<20x80xi32, #tpu.memory_space<hbm>>
      tpu.wait_dma2 semaphore(%run_scoped3A : memref<!tpu.dma_semaphore, #tpu.memory_space<semaphore_mem>>) src(%dma_wait3A_28 : memref<20x80xi32, #tpu.memory_space<hbm>>) dst(%arg5 : memref<20x80xi32, #tpu.memory_space<vmem>>)
      tpu.yield
    }) : () -> ()
    %dma_start3A = arith.constant 0 : i32
    %dma_start3A_3 = arith.constant 0 : i32
    %dma_start3A_4 = tpu.memref_slice %arg5[%dma_start3A, %dma_start3A_3] : memref<20x80xi32, #tpu.memory_space<vmem>> -> memref<1x80xi32, #tpu.memory_space<vmem>>
    %dma_start3A_5 = tpu.memref_squeeze %dma_start3A_4 : memref<1x80xi32, #tpu.memory_space<vmem>> -> memref<80xi32, #tpu.memory_space<vmem>>
    %dma_start3A_6 = arith.constant 0 : i32
    %dma_start3A_7 = arith.constant 0 : i32
    %dma_start3A_8 = tpu.memref_slice %arg2[%dma_start3A_6, %dma_start3A_7] : memref<101000x128xf32, #tpu.memory_space<hbm>> -> memref<101000x128xf32, #tpu.memory_space<hbm>>
    tpu.enqueue_indirect_dma source(%dma_start3A_8 : memref<101000x128xf32, #tpu.memory_space<hbm>>) target(%arg6 : memref<80x128xf32, #tpu.memory_space<vmem>>) offsets(%dma_start3A_5 : memref<80xi32, #tpu.memory_space<vmem>>) semaphore(%arg8 : memref<!tpu.dma_semaphore, #tpu.memory_space<semaphore_mem>>)
    %scan3A = arith.constant 0 : i32
    %scan3A_9 = arith.constant 0 : i32
    %scan3A_10 = arith.constant 10 : i32
    %scan3A_11 = arith.addi %scan3A_9, %scan3A_10 : i32
    %scan3A_12 = arith.constant 1 : i32
    scf.for %scan3A_14 = %scan3A_9 to %scan3A_11 step %scan3A_12  : i32 {
      %mul3A_15 = arith.constant 2 : i32
      %mul3A_16 = arith.muli %mul3A_15, %scan3A_14 : i32
      %add3A_17 = arith.constant 1 : i32
      %add3A_18 = arith.addi %mul3A_16, %add3A_17 : i32
      %dma_start3A_19 = arith.constant 0 : i32
      %dma_start3A_20 = tpu.memref_slice %arg5[%add3A_18, %dma_start3A_19] : memref<20x80xi32, #tpu.memory_space<vmem>> -> memref<1x80xi32, #tpu.memory_space<vmem>>
      %dma_start3A_21 = tpu.memref_squeeze %dma_start3A_20 : memref<1x80xi32, #tpu.memory_space<vmem>> -> memref<80xi32, #tpu.memory_space<vmem>>
      %dma_start3A_22 = arith.constant 0 : i32
      %dma_start3A_23 = arith.constant 0 : i32
      %dma_start3A_24 = tpu.memref_slice %arg2[%dma_start3A_22, %dma_start3A_23] : memref<101000x128xf32, #tpu.memory_space<hbm>> -> memref<101000x128xf32, #tpu.memory_space<hbm>>
      tpu.enqueue_indirect_dma source(%dma_start3A_24 : memref<101000x128xf32, #tpu.memory_space<hbm>>) target(%arg7 : memref<80x128xf32, #tpu.memory_space<vmem>>) offsets(%dma_start3A_21 : memref<80xi32, #tpu.memory_space<vmem>>) semaphore(%arg9 : memref<!tpu.dma_semaphore, #tpu.memory_space<semaphore_mem>>)
      %dma_wait3A = arith.constant 0 : i32
      %dma_wait3A_25 = tpu.memref_slice %arg5[%mul3A_16, %dma_wait3A] : memref<20x80xi32, #tpu.memory_space<vmem>> -> memref<1x80xi32, #tpu.memory_space<vmem>>
      %dma_wait3A_26 = tpu.memref_squeeze %dma_wait3A_25 : memref<1x80xi32, #tpu.memory_space<vmem>> -> memref<80xi32, #tpu.memory_space<vmem>>
      %dma_wait3A_27 = arith.constant 0 : i32
      %dma_wait3A_28 = arith.constant 0 : i32
      %dma_wait3A_29 = tpu.memref_slice %arg2[%dma_wait3A_27, %dma_wait3A_28] : memref<101000x128xf32, #tpu.memory_space<hbm>> -> memref<101000x128xf32, #tpu.memory_space<hbm>>
      tpu.wait_indirect_dma semaphore(%arg8 : memref<!tpu.dma_semaphore, #tpu.memory_space<semaphore_mem>>) src(%dma_wait3A_29 : memref<101000x128xf32, #tpu.memory_space<hbm>>) dst(%arg6 : memref<80x128xf32, #tpu.memory_space<vmem>>)
      %mul3A_30 = arith.constant 80 : i32
      %mul3A_31 = arith.muli %mul3A_16, %mul3A_30 : i32
      %add3A_32 = arith.addi %mul3A_2, %mul3A_31 : i32
      "tpu.region"() ({
        %run_scoped3A = tpu.sem_alloc : memref<!tpu.dma_semaphore, #tpu.memory_space<semaphore_mem>>
        %dma_start3A_46 = arith.constant 0 : i32
        %dma_start3A_47 = tpu.memref_slice %arg4[%add3A_32, %dma_start3A_46] : memref<51200x128xf32, #tpu.memory_space<hbm>> -> memref<80x128xf32, #tpu.memory_space<hbm>>
        %dma_start3A_48 = arith.constant 0 : i32
        %dma_start3A_49 = tpu.memref_slice %arg4[%add3A_32, %dma_start3A_48] : memref<51200x128xf32, #tpu.memory_space<hbm>> -> memref<80x128xf32, #tpu.memory_space<hbm>>
        tpu.enqueue_dma source(%arg6 : memref<80x128xf32, #tpu.memory_space<vmem>>) target(%dma_start3A_49 : memref<80x128xf32, #tpu.memory_space<hbm>>) target_semaphore(%run_scoped3A : memref<!tpu.dma_semaphore, #tpu.memory_space<semaphore_mem>>)
        %dma_wait3A_50 = arith.constant 0 : i32
        %dma_wait3A_51 = tpu.memref_slice %arg4[%add3A_32, %dma_wait3A_50] : memref<51200x128xf32, #tpu.memory_space<hbm>> -> memref<80x128xf32, #tpu.memory_space<hbm>>
        %dma_wait3A_52 = arith.constant 0 : i32
        %dma_wait3A_53 = tpu.memref_slice %arg4[%add3A_32, %dma_wait3A_52] : memref<51200x128xf32, #tpu.memory_space<hbm>> -> memref<80x128xf32, #tpu.memory_space<hbm>>
        tpu.wait_dma2 semaphore(%run_scoped3A : memref<!tpu.dma_semaphore, #tpu.memory_space<semaphore_mem>>) src(%arg6 : memref<80x128xf32, #tpu.memory_space<vmem>>) dst(%dma_wait3A_53 : memref<80x128xf32, #tpu.memory_space<hbm>>)
        tpu.yield
      }) : () -> ()
      %lt3A = arith.constant 9 : i32
      %lt3A_33 = arith.cmpi slt, %scan3A_14, %lt3A : i32
      %convert_element_type3A = arith.extui %lt3A_33 : i1 to i32
      %cond3A = arith.constant 0 : i32
      %cond3A_34 = arith.cmpi ne, %convert_element_type3A, %cond3A : i32
      scf.if %cond3A_34 {
        %add3A_46 = arith.constant 2 : i32
        %add3A_47 = arith.addi %mul3A_16, %add3A_46 : i32
        %dma_start3A_48 = arith.constant 0 : i32
        %dma_start3A_49 = tpu.memref_slice %arg5[%add3A_47, %dma_start3A_48] : memref<20x80xi32, #tpu.memory_space<vmem>> -> memref<1x80xi32, #tpu.memory_space<vmem>>
        %dma_start3A_50 = tpu.memref_squeeze %dma_start3A_49 : memref<1x80xi32, #tpu.memory_space<vmem>> -> memref<80xi32, #tpu.memory_space<vmem>>
        %dma_start3A_51 = arith.constant 0 : i32
        %dma_start3A_52 = arith.constant 0 : i32
        %dma_start3A_53 = tpu.memref_slice %arg2[%dma_start3A_51, %dma_start3A_52] : memref<101000x128xf32, #tpu.memory_space<hbm>> -> memref<101000x128xf32, #tpu.memory_space<hbm>>
        tpu.enqueue_indirect_dma source(%dma_start3A_53 : memref<101000x128xf32, #tpu.memory_space<hbm>>) target(%arg6 : memref<80x128xf32, #tpu.memory_space<vmem>>) offsets(%dma_start3A_50 : memref<80xi32, #tpu.memory_space<vmem>>) semaphore(%arg8 : memref<!tpu.dma_semaphore, #tpu.memory_space<semaphore_mem>>)
      } else {
      }
      %add3A_35 = arith.constant 1 : i32
      %add3A_36 = arith.addi %mul3A_16, %add3A_35 : i32
      %dma_wait3A_37 = arith.constant 0 : i32
      %dma_wait3A_38 = tpu.memref_slice %arg5[%add3A_36, %dma_wait3A_37] : memref<20x80xi32, #tpu.memory_space<vmem>> -> memref<1x80xi32, #tpu.memory_space<vmem>>
      %dma_wait3A_39 = tpu.memref_squeeze %dma_wait3A_38 : memref<1x80xi32, #tpu.memory_space<vmem>> -> memref<80xi32, #tpu.memory_space<vmem>>
      %dma_wait3A_40 = arith.constant 0 : i32
      %dma_wait3A_41 = arith.constant 0 : i32
      %dma_wait3A_42 = tpu.memref_slice %arg2[%dma_wait3A_40, %dma_wait3A_41] : memref<101000x128xf32, #tpu.memory_space<hbm>> -> memref<101000x128xf32, #tpu.memory_space<hbm>>
      tpu.wait_indirect_dma semaphore(%arg9 : memref<!tpu.dma_semaphore, #tpu.memory_space<semaphore_mem>>) src(%dma_wait3A_42 : memref<101000x128xf32, #tpu.memory_space<hbm>>) dst(%arg7 : memref<80x128xf32, #tpu.memory_space<vmem>>)
      %mul3A_43 = arith.constant 80 : i32
      %mul3A_44 = arith.muli %add3A_36, %mul3A_43 : i32
      %add3A_45 = arith.addi %mul3A_2, %mul3A_44 : i32
      "tpu.region"() ({
        %run_scoped3A = tpu.sem_alloc : memref<!tpu.dma_semaphore, #tpu.memory_space<semaphore_mem>>
        %dma_start3A_46 = arith.constant 0 : i32
        %dma_start3A_47 = tpu.memref_slice %arg4[%add3A_45, %dma_start3A_46] : memref<51200x128xf32, #tpu.memory_space<hbm>> -> memref<80x128xf32, #tpu.memory_space<hbm>>
        %dma_start3A_48 = arith.constant 0 : i32
        %dma_start3A_49 = tpu.memref_slice %arg4[%add3A_45, %dma_start3A_48] : memref<51200x128xf32, #tpu.memory_space<hbm>> -> memref<80x128xf32, #tpu.memory_space<hbm>>
        tpu.enqueue_dma source(%arg7 : memref<80x128xf32, #tpu.memory_space<vmem>>) target(%dma_start3A_49 : memref<80x128xf32, #tpu.memory_space<hbm>>) target_semaphore(%run_scoped3A : memref<!tpu.dma_semaphore, #tpu.memory_space<semaphore_mem>>)
        %dma_wait3A_50 = arith.constant 0 : i32
        %dma_wait3A_51 = tpu.memref_slice %arg4[%add3A_45, %dma_wait3A_50] : memref<51200x128xf32, #tpu.memory_space<hbm>> -> memref<80x128xf32, #tpu.memory_space<hbm>>
        %dma_wait3A_52 = arith.constant 0 : i32
        %dma_wait3A_53 = tpu.memref_slice %arg4[%add3A_45, %dma_wait3A_52] : memref<51200x128xf32, #tpu.memory_space<hbm>> -> memref<80x128xf32, #tpu.memory_space<hbm>>
        tpu.wait_dma2 semaphore(%run_scoped3A : memref<!tpu.dma_semaphore, #tpu.memory_space<semaphore_mem>>) src(%arg7 : memref<80x128xf32, #tpu.memory_space<vmem>>) dst(%dma_wait3A_53 : memref<80x128xf32, #tpu.memory_space<hbm>>)
        tpu.yield
      }) : () -> ()
    }
    %scan3A_13 = arith.constant 10 : i32
    return
  }
}

#map = affine_map<(d0, d1) -> (0, 0)>
#map1 = affine_map<(d0, d1) -> (0, 0, 0)>
module attributes {stable_mosaic.version = 14 : i64} {
  func.func @_sc_gather_body(%arg0: i32, %arg1: i32, %arg2: memref<101000x128xf32, #tpu.memory_space<hbm>>, %arg3: memref<32x20x80xi32, #tpu.memory_space<hbm>>, %arg4: memref<51200x128xf32, #tpu.memory_space<hbm>>, %arg5: memref<20x80xi32, #tpu.memory_space<vmem>>, %arg6: memref<80x128xf32, #tpu.memory_space<vmem>>, %arg7: memref<80x128xf32, #tpu.memory_space<vmem>>, %arg8: memref<!tpu.dma_semaphore, #tpu.memory_space<semaphore_mem>>, %arg9: memref<!tpu.dma_semaphore, #tpu.memory_space<semaphore_mem>>) attributes {dimension_semantics = [#tpu.dimension_semantics<core_parallel>, #tpu.dimension_semantics<subcore_parallel>], iteration_bounds = array<i64: 2, 16>, scalar_prefetch = 0 : i64, scratch_operands = 5 : i64, tpu.core_type = #tpu.core_type<sc_vector_subcore>, window_params = [{transform_indices = #map}, {transform_indices = #map1}, {transform_indices = #map}]} {
    %mul3A = arith.constant 2 : i32
    %mul3A_0 = arith.muli %arg1, %mul3A : i32
    %add3A = arith.addi %mul3A_0, %arg0 : i32
    %mul3A_1 = arith.constant 1600 : i32
    %mul3A_2 = arith.muli %add3A, %mul3A_1 : i32
    "tpu.region"() ({
      %run_scoped3A = tpu.sem_alloc : memref<!tpu.dma_semaphore, #tpu.memory_space<semaphore_mem>>
      %dma_start3A_14 = arith.constant 0 : i32
      %dma_start3A_15 = arith.constant 0 : i32
      %dma_start3A_16 = tpu.memref_slice %arg3[%add3A, %dma_start3A_14, %dma_start3A_15] : memref<32x20x80xi32, #tpu.memory_space<hbm>> -> memref<1x20x80xi32, #tpu.memory_space<hbm>>
      %dma_start3A_17 = tpu.memref_squeeze %dma_start3A_16 : memref<1x20x80xi32, #tpu.memory_space<hbm>> -> memref<20x80xi32, #tpu.memory_space<hbm>>
      %dma_start3A_18 = arith.constant 0 : i32
      %dma_start3A_19 = arith.constant 0 : i32
      %dma_start3A_20 = tpu.memref_slice %arg3[%add3A, %dma_start3A_18, %dma_start3A_19] : memref<32x20x80xi32, #tpu.memory_space<hbm>> -> memref<1x20x80xi32, #tpu.memory_space<hbm>>
      %dma_start3A_21 = tpu.memref_squeeze %dma_start3A_20 : memref<1x20x80xi32, #tpu.memory_space<hbm>> -> memref<20x80xi32, #tpu.memory_space<hbm>>
      tpu.enqueue_dma source(%dma_start3A_21 : memref<20x80xi32, #tpu.memory_space<hbm>>) target(%arg5 : memref<20x80xi32, #tpu.memory_space<vmem>>) target_semaphore(%run_scoped3A : memref<!tpu.dma_semaphore, #tpu.memory_space<semaphore_mem>>)
      %dma_wait3A = arith.constant 0 : i32
      %dma_wait3A_22 = arith.constant 0 : i32
      %dma_wait3A_23 = tpu.memref_slice %arg3[%add3A, %dma_wait3A, %dma_wait3A_22] : memref<32x20x80xi32, #tpu.memory_space<hbm>> -> memref<1x20x80xi32, #tpu.memory_space<hbm>>
      %dma_wait3A_24 = tpu.memref_squeeze %dma_wait3A_23 : memref<1x20x80xi32, #tpu.memory_space<hbm>> -> memref<20x80xi32, #tpu.memory_space<hbm>>
      %dma_wait3A_25 = arith.constant 0 : i32
      %dma_wait3A_26 = arith.constant 0 : i32
      %dma_wait3A_27 = tpu.memref_slice %arg3[%add3A, %dma_wait3A_25, %dma_wait3A_26] : memref<32x20x80xi32, #tpu.memory_space<hbm>> -> memref<1x20x80xi32, #tpu.memory_space<hbm>>
      %dma_wait3A_28 = tpu.memref_squeeze %dma_wait3A_27 : memref<1x20x80xi32, #tpu.memory_space<hbm>> -> memref<20x80xi32, #tpu.memory_space<hbm>>
      tpu.wait_dma2 semaphore(%run_scoped3A : memref<!tpu.dma_semaphore, #tpu.memory_space<semaphore_mem>>) src(%dma_wait3A_28 : memref<20x80xi32, #tpu.memory_space<hbm>>) dst(%arg5 : memref<20x80xi32, #tpu.memory_space<vmem>>)
      tpu.yield
    }) : () -> ()
    %dma_start3A = arith.constant 0 : i32
    %dma_start3A_3 = arith.constant 0 : i32
    %dma_start3A_4 = tpu.memref_slice %arg5[%dma_start3A, %dma_start3A_3] : memref<20x80xi32, #tpu.memory_space<vmem>> -> memref<1x80xi32, #tpu.memory_space<vmem>>
    %dma_start3A_5 = tpu.memref_squeeze %dma_start3A_4 : memref<1x80xi32, #tpu.memory_space<vmem>> -> memref<80xi32, #tpu.memory_space<vmem>>
    %dma_start3A_6 = arith.constant 0 : i32
    %dma_start3A_7 = arith.constant 0 : i32
    %dma_start3A_8 = tpu.memref_slice %arg2[%dma_start3A_6, %dma_start3A_7] : memref<101000x128xf32, #tpu.memory_space<hbm>> -> memref<101000x128xf32, #tpu.memory_space<hbm>>
    tpu.enqueue_indirect_dma source(%dma_start3A_8 : memref<101000x128xf32, #tpu.memory_space<hbm>>) target(%arg6 : memref<80x128xf32, #tpu.memory_space<vmem>>) offsets(%dma_start3A_5 : memref<80xi32, #tpu.memory_space<vmem>>) semaphore(%arg8 : memref<!tpu.dma_semaphore, #tpu.memory_space<semaphore_mem>>)
    %scan3A = arith.constant 0 : i32
    %scan3A_9 = arith.constant 0 : i32
    %scan3A_10 = arith.constant 10 : i32
    %scan3A_11 = arith.addi %scan3A_9, %scan3A_10 : i32
    %scan3A_12 = arith.constant 1 : i32
    scf.for %scan3A_14 = %scan3A_9 to %scan3A_11 step %scan3A_12  : i32 {
      %mul3A_15 = arith.constant 2 : i32
      %mul3A_16 = arith.muli %mul3A_15, %scan3A_14 : i32
      %add3A_17 = arith.constant 1 : i32
      %add3A_18 = arith.addi %mul3A_16, %add3A_17 : i32
      %dma_start3A_19 = arith.constant 0 : i32
      %dma_start3A_20 = tpu.memref_slice %arg5[%add3A_18, %dma_start3A_19] : memref<20x80xi32, #tpu.memory_space<vmem>> -> memref<1x80xi32, #tpu.memory_space<vmem>>
      %dma_start3A_21 = tpu.memref_squeeze %dma_start3A_20 : memref<1x80xi32, #tpu.memory_space<vmem>> -> memref<80xi32, #tpu.memory_space<vmem>>
      %dma_start3A_22 = arith.constant 0 : i32
      %dma_start3A_23 = arith.constant 0 : i32
      %dma_start3A_24 = tpu.memref_slice %arg2[%dma_start3A_22, %dma_start3A_23] : memref<101000x128xf32, #tpu.memory_space<hbm>> -> memref<101000x128xf32, #tpu.memory_space<hbm>>
      tpu.enqueue_indirect_dma source(%dma_start3A_24 : memref<101000x128xf32, #tpu.memory_space<hbm>>) target(%arg7 : memref<80x128xf32, #tpu.memory_space<vmem>>) offsets(%dma_start3A_21 : memref<80xi32, #tpu.memory_space<vmem>>) semaphore(%arg9 : memref<!tpu.dma_semaphore, #tpu.memory_space<semaphore_mem>>)
      %dma_wait3A = arith.constant 0 : i32
      %dma_wait3A_25 = tpu.memref_slice %arg5[%mul3A_16, %dma_wait3A] : memref<20x80xi32, #tpu.memory_space<vmem>> -> memref<1x80xi32, #tpu.memory_space<vmem>>
      %dma_wait3A_26 = tpu.memref_squeeze %dma_wait3A_25 : memref<1x80xi32, #tpu.memory_space<vmem>> -> memref<80xi32, #tpu.memory_space<vmem>>
      %dma_wait3A_27 = arith.constant 0 : i32
      %dma_wait3A_28 = arith.constant 0 : i32
      %dma_wait3A_29 = tpu.memref_slice %arg2[%dma_wait3A_27, %dma_wait3A_28] : memref<101000x128xf32, #tpu.memory_space<hbm>> -> memref<101000x128xf32, #tpu.memory_space<hbm>>
      tpu.wait_indirect_dma semaphore(%arg8 : memref<!tpu.dma_semaphore, #tpu.memory_space<semaphore_mem>>) src(%dma_wait3A_29 : memref<101000x128xf32, #tpu.memory_space<hbm>>) dst(%arg6 : memref<80x128xf32, #tpu.memory_space<vmem>>)
      %mul3A_30 = arith.constant 80 : i32
      %mul3A_31 = arith.muli %mul3A_16, %mul3A_30 : i32
      %add3A_32 = arith.addi %mul3A_2, %mul3A_31 : i32
      "tpu.region"() ({
        %run_scoped3A = tpu.sem_alloc : memref<!tpu.dma_semaphore, #tpu.memory_space<semaphore_mem>>
        %dma_start3A_46 = arith.constant 0 : i32
        %dma_start3A_47 = tpu.memref_slice %arg4[%add3A_32, %dma_start3A_46] : memref<51200x128xf32, #tpu.memory_space<hbm>> -> memref<80x128xf32, #tpu.memory_space<hbm>>
        %dma_start3A_48 = arith.constant 0 : i32
        %dma_start3A_49 = tpu.memref_slice %arg4[%add3A_32, %dma_start3A_48] : memref<51200x128xf32, #tpu.memory_space<hbm>> -> memref<80x128xf32, #tpu.memory_space<hbm>>
        tpu.enqueue_dma source(%arg6 : memref<80x128xf32, #tpu.memory_space<vmem>>) target(%dma_start3A_49 : memref<80x128xf32, #tpu.memory_space<hbm>>) target_semaphore(%run_scoped3A : memref<!tpu.dma_semaphore, #tpu.memory_space<semaphore_mem>>)
        %dma_wait3A_50 = arith.constant 0 : i32
        %dma_wait3A_51 = tpu.memref_slice %arg4[%add3A_32, %dma_wait3A_50] : memref<51200x128xf32, #tpu.memory_space<hbm>> -> memref<80x128xf32, #tpu.memory_space<hbm>>
        %dma_wait3A_52 = arith.constant 0 : i32
        %dma_wait3A_53 = tpu.memref_slice %arg4[%add3A_32, %dma_wait3A_52] : memref<51200x128xf32, #tpu.memory_space<hbm>> -> memref<80x128xf32, #tpu.memory_space<hbm>>
        tpu.wait_dma2 semaphore(%run_scoped3A : memref<!tpu.dma_semaphore, #tpu.memory_space<semaphore_mem>>) src(%arg6 : memref<80x128xf32, #tpu.memory_space<vmem>>) dst(%dma_wait3A_53 : memref<80x128xf32, #tpu.memory_space<hbm>>)
        tpu.yield
      }) : () -> ()
      %lt3A = arith.constant 9 : i32
      %lt3A_33 = arith.cmpi slt, %scan3A_14, %lt3A : i32
      %convert_element_type3A = arith.extui %lt3A_33 : i1 to i32
      %cond3A = arith.constant 0 : i32
      %cond3A_34 = arith.cmpi ne, %convert_element_type3A, %cond3A : i32
      scf.if %cond3A_34 {
        %add3A_46 = arith.constant 2 : i32
        %add3A_47 = arith.addi %mul3A_16, %add3A_46 : i32
        %dma_start3A_48 = arith.constant 0 : i32
        %dma_start3A_49 = tpu.memref_slice %arg5[%add3A_47, %dma_start3A_48] : memref<20x80xi32, #tpu.memory_space<vmem>> -> memref<1x80xi32, #tpu.memory_space<vmem>>
        %dma_start3A_50 = tpu.memref_squeeze %dma_start3A_49 : memref<1x80xi32, #tpu.memory_space<vmem>> -> memref<80xi32, #tpu.memory_space<vmem>>
        %dma_start3A_51 = arith.constant 0 : i32
        %dma_start3A_52 = arith.constant 0 : i32
        %dma_start3A_53 = tpu.memref_slice %arg2[%dma_start3A_51, %dma_start3A_52] : memref<101000x128xf32, #tpu.memory_space<hbm>> -> memref<101000x128xf32, #tpu.memory_space<hbm>>
        tpu.enqueue_indirect_dma source(%dma_start3A_53 : memref<101000x128xf32, #tpu.memory_space<hbm>>) target(%arg6 : memref<80x128xf32, #tpu.memory_space<vmem>>) offsets(%dma_start3A_50 : memref<80xi32, #tpu.memory_space<vmem>>) semaphore(%arg8 : memref<!tpu.dma_semaphore, #tpu.memory_space<semaphore_mem>>)
      } else {
      }
      %add3A_35 = arith.constant 1 : i32
      %add3A_36 = arith.addi %mul3A_16, %add3A_35 : i32
      %dma_wait3A_37 = arith.constant 0 : i32
      %dma_wait3A_38 = tpu.memref_slice %arg5[%add3A_36, %dma_wait3A_37] : memref<20x80xi32, #tpu.memory_space<vmem>> -> memref<1x80xi32, #tpu.memory_space<vmem>>
      %dma_wait3A_39 = tpu.memref_squeeze %dma_wait3A_38 : memref<1x80xi32, #tpu.memory_space<vmem>> -> memref<80xi32, #tpu.memory_space<vmem>>
      %dma_wait3A_40 = arith.constant 0 : i32
      %dma_wait3A_41 = arith.constant 0 : i32
      %dma_wait3A_42 = tpu.memref_slice %arg2[%dma_wait3A_40, %dma_wait3A_41] : memref<101000x128xf32, #tpu.memory_space<hbm>> -> memref<101000x128xf32, #tpu.memory_space<hbm>>
      tpu.wait_indirect_dma semaphore(%arg9 : memref<!tpu.dma_semaphore, #tpu.memory_space<semaphore_mem>>) src(%dma_wait3A_42 : memref<101000x128xf32, #tpu.memory_space<hbm>>) dst(%arg7 : memref<80x128xf32, #tpu.memory_space<vmem>>)
      %mul3A_43 = arith.constant 80 : i32
      %mul3A_44 = arith.muli %add3A_36, %mul3A_43 : i32
      %add3A_45 = arith.addi %mul3A_2, %mul3A_44 : i32
      "tpu.region"() ({
        %run_scoped3A = tpu.sem_alloc : memref<!tpu.dma_semaphore, #tpu.memory_space<semaphore_mem>>
        %dma_start3A_46 = arith.constant 0 : i32
        %dma_start3A_47 = tpu.memref_slice %arg4[%add3A_45, %dma_start3A_46] : memref<51200x128xf32, #tpu.memory_space<hbm>> -> memref<80x128xf32, #tpu.memory_space<hbm>>
        %dma_start3A_48 = arith.constant 0 : i32
        %dma_start3A_49 = tpu.memref_slice %arg4[%add3A_45, %dma_start3A_48] : memref<51200x128xf32, #tpu.memory_space<hbm>> -> memref<80x128xf32, #tpu.memory_space<hbm>>
        tpu.enqueue_dma source(%arg7 : memref<80x128xf32, #tpu.memory_space<vmem>>) target(%dma_start3A_49 : memref<80x128xf32, #tpu.memory_space<hbm>>) target_semaphore(%run_scoped3A : memref<!tpu.dma_semaphore, #tpu.memory_space<semaphore_mem>>)
        %dma_wait3A_50 = arith.constant 0 : i32
        %dma_wait3A_51 = tpu.memref_slice %arg4[%add3A_45, %dma_wait3A_50] : memref<51200x128xf32, #tpu.memory_space<hbm>> -> memref<80x128xf32, #tpu.memory_space<hbm>>
        %dma_wait3A_52 = arith.constant 0 : i32
        %dma_wait3A_53 = tpu.memref_slice %arg4[%add3A_45, %dma_wait3A_52] : memref<51200x128xf32, #tpu.memory_space<hbm>> -> memref<80x128xf32, #tpu.memory_space<hbm>>
        tpu.wait_dma2 semaphore(%run_scoped3A : memref<!tpu.dma_semaphore, #tpu.memory_space<semaphore_mem>>) src(%arg7 : memref<80x128xf32, #tpu.memory_space<vmem>>) dst(%dma_wait3A_53 : memref<80x128xf32, #tpu.memory_space<hbm>>)
        tpu.yield
      }) : () -> ()
    }
    %scan3A_13 = arith.constant 10 : i32
    return
  }
}

module attributes {stable_mosaic.version = 14 : i64} {
  func.func @_tc_body(%arg0: i32, %arg1: memref<1x640xi32, #tpu.memory_space<vmem>>, %arg2: memref<1x640xi32, #tpu.memory_space<vmem>>, %arg3: memref<1x2xf32, #tpu.memory_space<vmem>>, %arg4: memref<128x128xf32, #tpu.memory_space<vmem>>, %arg5: memref<128x128xf32, #tpu.memory_space<vmem>>, %arg6: memref<128x128xf32, #tpu.memory_space<vmem>>, %arg7: memref<256x128xf32, #tpu.memory_space<vmem>>, %arg8: memref<256x128xf32, #tpu.memory_space<vmem>>, %arg9: memref<256x128xf32, #tpu.memory_space<vmem>>, %arg10: memref<1x128xf32, #tpu.memory_space<vmem>>, %arg11: memref<1x128xf32, #tpu.memory_space<vmem>>, %arg12: memref<1x128xf32, #tpu.memory_space<vmem>>, %arg13: memref<1x128xf32, #tpu.memory_space<vmem>>, %arg14: memref<1x128xf32, #tpu.memory_space<vmem>>, %arg15: memref<1x128xf32, #tpu.memory_space<vmem>>, %arg16: memref<128x256xf32, #tpu.memory_space<vmem>>, %arg17: memref<1x256xf32, #tpu.memory_space<vmem>>, %arg18: memref<256x1xf32, #tpu.memory_space<vmem>>, %arg19: memref<1x1xf32, #tpu.memory_space<vmem>>, %arg20: memref<100x128x128xf32, #tpu.memory_space<vmem>>, %arg21: memref<128x1xf32, #tpu.memory_space<vmem>>) attributes {dimension_semantics = [#tpu.dimension_semantics<parallel>], iteration_bounds = array<i64: 4>, scalar_prefetch = 0 : i64, scratch_operands = 0 : i64, tpu.core_type = #tpu.core_type<tc>, window_params = [{pipeline_mode = #tpu.pipeline_mode<synchronous>, transform_indices = @transform_0, window_bounds = array<i64: 1, 640>}, {pipeline_mode = #tpu.pipeline_mode<synchronous>, transform_indices = @transform_1, window_bounds = array<i64: 1, 640>}, {pipeline_mode = #tpu.pipeline_mode<synchronous>, transform_indices = @transform_2, window_bounds = array<i64: 1, 2>}, {pipeline_mode = #tpu.pipeline_mode<synchronous>, transform_indices = @transform_3, window_bounds = array<i64: 128, 128>}, {pipeline_mode = #tpu.pipeline_mode<synchronous>, transform_indices = @transform_4, window_bounds = array<i64: 128, 128>}, {pipeline_mode = #tpu.pipeline_mode<synchronous>, transform_indices = @transform_5, window_bounds = array<i64: 128, 128>}, {pipeline_mode = #tpu.pipeline_mode<synchronous>, transform_indices = @transform_6, window_bounds = array<i64: 256, 128>}, {pipeline_mode = #tpu.pipeline_mode<synchronous>, transform_indices = @transform_7, window_bounds = array<i64: 256, 128>}, {pipeline_mode = #tpu.pipeline_mode<synchronous>, transform_indices = @transform_8, window_bounds = array<i64: 256, 128>}, {pipeline_mode = #tpu.pipeline_mode<synchronous>, transform_indices = @transform_9, window_bounds = array<i64: 1, 128>}, {pipeline_mode = #tpu.pipeline_mode<synchronous>, transform_indices = @transform_10, window_bounds = array<i64: 1, 128>}, {pipeline_mode = #tpu.pipeline_mode<synchronous>, transform_indices = @transform_11, window_bounds = array<i64: 1, 128>}, {pipeline_mode = #tpu.pipeline_mode<synchronous>, transform_indices = @transform_12, window_bounds = array<i64: 1, 128>}, {pipeline_mode = #tpu.pipeline_mode<synchronous>, transform_indices = @transform_13, window_bounds = array<i64: 1, 128>}, {pipeline_mode = #tpu.pipeline_mode<synchronous>, transform_indices = @transform_14, window_bounds = array<i64: 1, 128>}, {pipeline_mode = #tpu.pipeline_mode<synchronous>, transform_indices = @transform_15, window_bounds = array<i64: 128, 256>}, {pipeline_mode = #tpu.pipeline_mode<synchronous>, transform_indices = @transform_16, window_bounds = array<i64: 1, 256>}, {pipeline_mode = #tpu.pipeline_mode<synchronous>, transform_indices = @transform_17, window_bounds = array<i64: 256, 1>}, {pipeline_mode = #tpu.pipeline_mode<synchronous>, transform_indices = @transform_18, window_bounds = array<i64: 1, 1>}, {transform_indices = @transform_19, window_bounds = array<i64: 100, 128, 128>}, {transform_indices = @transform_20, window_bounds = array<i64: 128, 1>}]} {
    %iota3A = tpu.iota {dimensions = array<i32: 0>} : vector<64x640xi32>
    %get3A = arith.constant 0 : index
    %get3A_0 = arith.constant 0 : index
    %get3A_1 = vector.load %arg1[%get3A, %get3A_0] : memref<1x640xi32, #tpu.memory_space<vmem>>, vector<1x640xi32>
    %eq3A = vector.broadcast %get3A_1 : vector<1x640xi32> to vector<64x640xi32>
    %eq3A_2 = arith.cmpi eq, %iota3A, %eq3A : vector<64x640xi32>
    %convert_element_type3A = arith.extui %eq3A_2 : vector<64x640xi1> to vector<64x640xi32>
    %convert_element_type3A_3 = arith.sitofp %convert_element_type3A : vector<64x640xi32> to vector<64x640xf32>
    %get3A_4 = arith.constant 0 : index
    %get3A_5 = arith.constant 0 : index
    %get3A_6 = vector.load %arg2[%get3A_4, %get3A_5] : memref<1x640xi32, #tpu.memory_space<vmem>>, vector<1x640xi32>
    %eq3A_7 = vector.broadcast %get3A_6 : vector<1x640xi32> to vector<64x640xi32>
    %eq3A_8 = arith.cmpi eq, %iota3A, %eq3A_7 : vector<64x640xi32>
    %convert_element_type3A_9 = arith.extui %eq3A_8 : vector<64x640xi1> to vector<64x640xi32>
    %convert_element_type3A_10 = arith.sitofp %convert_element_type3A_9 : vector<64x640xi32> to vector<64x640xf32>
    %reduce_sum3A = arith.constant dense<0.000000e+00> : vector<64xf32>
    %reduce_sum3A_11 = vector.multi_reduction <add>, %convert_element_type3A_10, %reduce_sum3A [1] : vector<64x640xf32> to vector<64xf32>
    %broadcast_in_dim3A = vector.shape_cast %reduce_sum3A_11 : vector<64xf32> to vector<64x1xf32>
    %gt3A = arith.constant 0.000000e+00 : f32
    %gt3A_12 = vector.broadcast %gt3A : f32 to vector<64x1xf32>
    %gt3A_13 = arith.cmpf ogt, %broadcast_in_dim3A, %gt3A_12 : vector<64x1xf32>
    %rsqrt3A = math.rsqrt %broadcast_in_dim3A : vector<64x1xf32>
    %jit3A = arith.constant 0.000000e+00 : f32
    %broadcast_in_dim3A_14 = vector.broadcast %jit3A : f32 to vector<64x1xf32>
    %select_n3A = arith.select %gt3A_13, %rsqrt3A, %broadcast_in_dim3A_14 : vector<64x1xi1>, vector<64x1xf32>
    %mul3A = vector.broadcast %select_n3A : vector<64x1xf32> to vector<64x640xf32>
    %mul3A_15 = arith.mulf %convert_element_type3A_3, %mul3A : vector<64x640xf32>
    %reduce_sum3A_16 = arith.constant dense<0.000000e+00> : vector<640xf32>
    %reduce_sum3A_17 = vector.multi_reduction <add>, %mul3A_15, %reduce_sum3A_16 [0] : vector<64x640xf32> to vector<640xf32>
    %broadcast_in_dim3A_18 = vector.shape_cast %reduce_sum3A_17 : vector<640xf32> to vector<1x640xf32>
    %mul3A_19 = vector.broadcast %select_n3A : vector<64x1xf32> to vector<64x640xf32>
    %mul3A_20 = arith.mulf %convert_element_type3A_10, %mul3A_19 : vector<64x640xf32>
    %reduce_sum3A_21 = arith.constant dense<0.000000e+00> : vector<640xf32>
    %reduce_sum3A_22 = vector.multi_reduction <add>, %mul3A_20, %reduce_sum3A_21 [0] : vector<64x640xf32> to vector<640xf32>
    %broadcast_in_dim3A_23 = vector.shape_cast %reduce_sum3A_22 : vector<640xf32> to vector<1x640xf32>
    %mul3A_24 = arith.mulf %broadcast_in_dim3A_18, %broadcast_in_dim3A_23 : vector<1x640xf32>
    %mul3A_25 = vector.broadcast %mul3A_24 : vector<1x640xf32> to vector<64x640xf32>
    %mul3A_26 = arith.mulf %convert_element_type3A_10, %mul3A_25 : vector<64x640xf32>
    %transpose3A = tpu.transpose %convert_element_type3A_3, [1, 0] : vector<64x640xf32> -> vector<640x64xf32>
    %dot_general3A = arith.constant dense<0.000000e+00> : vector<64x64xf32>
    %dot_general3A_27 = tpu.matmul %mul3A_26, %transpose3A, %dot_general3A {dimension_numbers = #tpu.dot_dimension_numbers<[1], [0], [0], [1], [0, 0, 1, 1], [], []>, transpose_lhs_hint = false} : vector<64x640xf32>, vector<640x64xf32>, vector<64x64xf32> -> vector<64x64xf32>
    %slice3A = vector.extract_strided_slice %dot_general3A_27 {offsets = [0, 0], sizes = [50, 50], strides = [1, 1]} : vector<64x64xf32> to vector<50x50xf32>
    %get3A_28 = arith.constant 0 : index
    %get3A_29 = arith.constant 0 : index
    %get3A_30 = vector.load %arg7[%get3A_28, %get3A_29] : memref<256x128xf32, #tpu.memory_space<vmem>>, vector<128x128xf32>
    %get3A_31 = arith.constant 128 : index
    %get3A_32 = arith.constant 0 : index
    %get3A_33 = vector.load %arg7[%get3A_31, %get3A_32] : memref<256x128xf32, #tpu.memory_space<vmem>>, vector<128x128xf32>
    %get3A_34 = arith.constant 0 : index
    %get3A_35 = arith.constant 0 : index
    %get3A_36 = vector.load %arg8[%get3A_34, %get3A_35] : memref<256x128xf32, #tpu.memory_space<vmem>>, vector<128x128xf32>
    %get3A_37 = arith.constant 128 : index
    %get3A_38 = arith.constant 0 : index
    %get3A_39 = vector.load %arg8[%get3A_37, %get3A_38] : memref<256x128xf32, #tpu.memory_space<vmem>>, vector<128x128xf32>
    %get3A_40 = arith.constant 0 : index
    %get3A_41 = arith.constant 0 : index
    %get3A_42 = vector.load %arg9[%get3A_40, %get3A_41] : memref<256x128xf32, #tpu.memory_space<vmem>>, vector<128x128xf32>
    %get3A_43 = arith.constant 128 : index
    %get3A_44 = arith.constant 0 : index
    %get3A_45 = vector.load %arg9[%get3A_43, %get3A_44] : memref<256x128xf32, #tpu.memory_space<vmem>>, vector<128x128xf32>
    %get3A_46 = arith.constant 0 : index
    %get3A_47 = arith.constant 0 : index
    %get3A_48 = vector.load %arg4[%get3A_46, %get3A_47] : memref<128x128xf32, #tpu.memory_space<vmem>>, vector<128x128xf32>
    %dot_general3A_49 = arith.constant dense<0.000000e+00> : vector<128x128xf32>
    %dot_general3A_50 = tpu.matmul %get3A_48, %get3A_30, %dot_general3A_49 {dimension_numbers = #tpu.dot_dimension_numbers<[1], [0], [0], [1], [0, 0, 1, 1], [], []>, transpose_lhs_hint = false} : vector<128x128xf32>, vector<128x128xf32>, vector<128x128xf32> -> vector<128x128xf32>
    %get3A_51 = arith.constant 0 : index
    %get3A_52 = arith.constant 0 : index
    %get3A_53 = vector.load %arg5[%get3A_51, %get3A_52] : memref<128x128xf32, #tpu.memory_space<vmem>>, vector<128x128xf32>
    %dot_general3A_54 = arith.constant dense<0.000000e+00> : vector<128x128xf32>
    %dot_general3A_55 = tpu.matmul %get3A_53, %get3A_36, %dot_general3A_54 {dimension_numbers = #tpu.dot_dimension_numbers<[1], [0], [0], [1], [0, 0, 1, 1], [], []>, transpose_lhs_hint = false} : vector<128x128xf32>, vector<128x128xf32>, vector<128x128xf32> -> vector<128x128xf32>
    %get3A_56 = arith.constant 0 : index
    %get3A_57 = arith.constant 0 : index
    %get3A_58 = vector.load %arg6[%get3A_56, %get3A_57] : memref<128x128xf32, #tpu.memory_space<vmem>>, vector<128x128xf32>
    %dot_general3A_59 = arith.constant dense<0.000000e+00> : vector<128x128xf32>
    %dot_general3A_60 = tpu.matmul %get3A_58, %get3A_42, %dot_general3A_59 {dimension_numbers = #tpu.dot_dimension_numbers<[1], [0], [0], [1], [0, 0, 1, 1], [], []>, transpose_lhs_hint = false} : vector<128x128xf32>, vector<128x128xf32>, vector<128x128xf32> -> vector<128x128xf32>
    %get3A_61 = arith.constant 0 : index
    %get3A_62 = arith.constant 0 : index
    %get3A_63 = vector.load %arg10[%get3A_61, %get3A_62] : memref<1x128xf32, #tpu.memory_space<vmem>>, vector<1x128xf32>
    %dot_general3A_64 = arith.constant dense<0.000000e+00> : vector<1x128xf32>
    %dot_general3A_65 = tpu.matmul %get3A_63, %get3A_30, %dot_general3A_64 {dimension_numbers = #tpu.dot_dimension_numbers<[1], [0], [0], [1], [0, 0, 1, 1], [], []>, transpose_lhs_hint = false} : vector<1x128xf32>, vector<128x128xf32>, vector<1x128xf32> -> vector<1x128xf32>
    %get3A_66 = arith.constant 0 : index
    %get3A_67 = arith.constant 0 : index
    %get3A_68 = vector.load %arg13[%get3A_66, %get3A_67] : memref<1x128xf32, #tpu.memory_space<vmem>>, vector<1x128xf32>
    %add3A = arith.addf %dot_general3A_65, %get3A_68 : vector<1x128xf32>
    %get3A_69 = arith.constant 0 : index
    %get3A_70 = arith.constant 0 : index
    %get3A_71 = vector.load %arg11[%get3A_69, %get3A_70] : memref<1x128xf32, #tpu.memory_space<vmem>>, vector<1x128xf32>
    %dot_general3A_72 = arith.constant dense<0.000000e+00> : vector<1x128xf32>
    %dot_general3A_73 = tpu.matmul %get3A_71, %get3A_36, %dot_general3A_72 {dimension_numbers = #tpu.dot_dimension_numbers<[1], [0], [0], [1], [0, 0, 1, 1], [], []>, transpose_lhs_hint = false} : vector<1x128xf32>, vector<128x128xf32>, vector<1x128xf32> -> vector<1x128xf32>
    %get3A_74 = arith.constant 0 : index
    %get3A_75 = arith.constant 0 : index
    %get3A_76 = vector.load %arg14[%get3A_74, %get3A_75] : memref<1x128xf32, #tpu.memory_space<vmem>>, vector<1x128xf32>
    %add3A_77 = arith.addf %dot_general3A_73, %get3A_76 : vector<1x128xf32>
    %get3A_78 = arith.constant 0 : index
    %get3A_79 = arith.constant 0 : index
    %get3A_80 = vector.load %arg12[%get3A_78, %get3A_79] : memref<1x128xf32, #tpu.memory_space<vmem>>, vector<1x128xf32>
    %dot_general3A_81 = arith.constant dense<0.000000e+00> : vector<1x128xf32>
    %dot_general3A_82 = tpu.matmul %get3A_80, %get3A_42, %dot_general3A_81 {dimension_numbers = #tpu.dot_dimension_numbers<[1], [0], [0], [1], [0, 0, 1, 1], [], []>, transpose_lhs_hint = false} : vector<1x128xf32>, vector<128x128xf32>, vector<1x128xf32> -> vector<1x128xf32>
    %get3A_83 = arith.constant 0 : index
    %get3A_84 = arith.constant 0 : index
    %get3A_85 = vector.load %arg15[%get3A_83, %get3A_84] : memref<1x128xf32, #tpu.memory_space<vmem>>, vector<1x128xf32>
    %add3A_86 = arith.addf %dot_general3A_82, %get3A_85 : vector<1x128xf32>
    %convert_element_type3A_87 = arith.truncf %slice3A : vector<50x50xf32> to vector<50x50xbf16>
    %get3A_88 = arith.constant 0 : index
    %get3A_89 = arith.constant 0 : index
    %get3A_90 = arith.constant 0 : index
    %get3A_91 = vector.load %arg20[%get3A_88, %get3A_89, %get3A_90] : memref<100x128x128xf32, #tpu.memory_space<vmem>>, vector<100x128x128xf32>
    %slice3A_92 = vector.extract_strided_slice %get3A_91 {offsets = [0, 0, 0], sizes = [50, 128, 128], strides = [1, 1, 1]} : vector<100x128x128xf32> to vector<50x128x128xf32>
    %convert_element_type3A_93 = arith.truncf %slice3A_92 : vector<50x128x128xf32> to vector<50x128x128xbf16>
    %reshape3A = vector.shape_cast %convert_element_type3A_93 : vector<50x128x128xbf16> to vector<50x16384xbf16>
    %slice3A_94 = vector.extract_strided_slice %get3A_91 {offsets = [50, 0, 0], sizes = [50, 128, 128], strides = [1, 1, 1]} : vector<100x128x128xf32> to vector<50x128x128xf32>
    %convert_element_type3A_95 = arith.truncf %slice3A_94 : vector<50x128x128xf32> to vector<50x128x128xbf16>
    %reshape3A_96 = vector.shape_cast %convert_element_type3A_95 : vector<50x128x128xbf16> to vector<50x16384xbf16>
    %concatenate3A = tpu.concatenate %dot_general3A_50, %dot_general3A_60 in 1 : vector<128x128xf32>, vector<128x128xf32> -> vector<128x256xf32>
    %convert_element_type3A_97 = arith.truncf %concatenate3A : vector<128x256xf32> to vector<128x256xbf16>
    %dot_general3A_98 = arith.constant dense<0.000000e+00> : vector<50x16384xf32>
    %dot_general3A_99 = tpu.matmul %convert_element_type3A_87, %reshape3A, %dot_general3A_98 {dimension_numbers = #tpu.dot_dimension_numbers<[1], [0], [0], [1], [0, 0, 1, 1], [], []>, transpose_lhs_hint = false} : vector<50x50xbf16>, vector<50x16384xbf16>, vector<50x16384xf32> -> vector<50x16384xf32>
    %convert_element_type3A_100 = arith.truncf %dot_general3A_99 : vector<50x16384xf32> to vector<50x16384xbf16>
    %reshape3A_101 = vector.shape_cast %convert_element_type3A_100 : vector<50x16384xbf16> to vector<6400x128xbf16>
    %dot_general3A_102 = arith.constant dense<0.000000e+00> : vector<6400x256xf32>
    %dot_general3A_103 = tpu.matmul %reshape3A_101, %convert_element_type3A_97, %dot_general3A_102 {dimension_numbers = #tpu.dot_dimension_numbers<[1], [0], [0], [1], [0, 0, 1, 1], [], []>, transpose_lhs_hint = false} : vector<6400x128xbf16>, vector<128x256xbf16>, vector<6400x256xf32> -> vector<6400x256xf32>
    %slice3A_104 = vector.extract_strided_slice %dot_general3A_103 {offsets = [0, 0], sizes = [6400, 128], strides = [1, 1]} : vector<6400x256xf32> to vector<6400x128xf32>
    %add3A_105 = vector.broadcast %add3A : vector<1x128xf32> to vector<6400x128xf32>
    %add3A_106 = arith.addf %slice3A_104, %add3A_105 : vector<6400x128xf32>
    %logistic3A = arith.negf %add3A_106 : vector<6400x128xf32>
    %logistic3A_107 = math.exp %logistic3A : vector<6400x128xf32>
    %logistic3A_108 = arith.constant 1.000000e+00 : f32
    %logistic3A_109 = vector.broadcast %logistic3A_108 : f32 to vector<6400x128xf32>
    %logistic3A_110 = arith.addf %logistic3A_109, %logistic3A_107 : vector<6400x128xf32>
    %logistic3A_111 = arith.divf %logistic3A_109, %logistic3A_110 : vector<6400x128xf32>
    %slice3A_112 = vector.extract_strided_slice %dot_general3A_103 {offsets = [0, 128], sizes = [6400, 128], strides = [1, 1]} : vector<6400x256xf32> to vector<6400x128xf32>
    %add3A_113 = vector.broadcast %add3A_86 : vector<1x128xf32> to vector<6400x128xf32>
    %add3A_114 = arith.addf %slice3A_112, %add3A_113 : vector<6400x128xf32>
    %tanh3A = math.tanh %add3A_114 : vector<6400x128xf32>
    %sub3A = arith.constant 1.000000e+00 : f32
    %sub3A_115 = vector.broadcast %sub3A : f32 to vector<6400x128xf32>
    %sub3A_116 = arith.subf %sub3A_115, %logistic3A_111 : vector<6400x128xf32>
    %mul3A_117 = arith.mulf %sub3A_116, %tanh3A : vector<6400x128xf32>
    %concatenate3A_118 = tpu.concatenate %dot_general3A_50, %dot_general3A_55, %dot_general3A_60 in 1 : vector<128x128xf32>, vector<128x128xf32>, vector<128x128xf32> -> vector<128x384xf32>
    %convert_element_type3A_119 = arith.truncf %concatenate3A_118 : vector<128x384xf32> to vector<128x384xbf16>
    %concatenate3A_120 = tpu.concatenate %get3A_33, %get3A_39 in 1 : vector<128x128xf32>, vector<128x128xf32> -> vector<128x256xf32>
    %convert_element_type3A_121 = arith.truncf %concatenate3A_120 : vector<128x256xf32> to vector<128x256xbf16>
    %dot_general3A_122 = arith.constant dense<0.000000e+00> : vector<50x16384xf32>
    %dot_general3A_123 = tpu.matmul %convert_element_type3A_87, %reshape3A_96, %dot_general3A_122 {dimension_numbers = #tpu.dot_dimension_numbers<[1], [0], [0], [1], [0, 0, 1, 1], [], []>, transpose_lhs_hint = false} : vector<50x50xbf16>, vector<50x16384xbf16>, vector<50x16384xf32> -> vector<50x16384xf32>
    %convert_element_type3A_124 = arith.truncf %dot_general3A_123 : vector<50x16384xf32> to vector<50x16384xbf16>
    %reshape3A_125 = vector.shape_cast %convert_element_type3A_124 : vector<50x16384xbf16> to vector<6400x128xbf16>
    %dot_general3A_126 = arith.constant dense<0.000000e+00> : vector<6400x384xf32>
    %dot_general3A_127 = tpu.matmul %reshape3A_125, %convert_element_type3A_119, %dot_general3A_126 {dimension_numbers = #tpu.dot_dimension_numbers<[1], [0], [0], [1], [0, 0, 1, 1], [], []>, transpose_lhs_hint = false} : vector<6400x128xbf16>, vector<128x384xbf16>, vector<6400x384xf32> -> vector<6400x384xf32>
    %convert_element_type3A_128 = arith.truncf %mul3A_117 : vector<6400x128xf32> to vector<6400x128xbf16>
    %dot_general3A_129 = arith.constant dense<0.000000e+00> : vector<6400x256xf32>
    %dot_general3A_130 = tpu.matmul %convert_element_type3A_128, %convert_element_type3A_121, %dot_general3A_129 {dimension_numbers = #tpu.dot_dimension_numbers<[1], [0], [0], [1], [0, 0, 1, 1], [], []>, transpose_lhs_hint = false} : vector<6400x128xbf16>, vector<128x256xbf16>, vector<6400x256xf32> -> vector<6400x256xf32>
    %slice3A_131 = vector.extract_strided_slice %dot_general3A_127 {offsets = [0, 0], sizes = [6400, 128], strides = [1, 1]} : vector<6400x384xf32> to vector<6400x128xf32>
    %slice3A_132 = vector.extract_strided_slice %dot_general3A_130 {offsets = [0, 0], sizes = [6400, 128], strides = [1, 1]} : vector<6400x256xf32> to vector<6400x128xf32>
    %add3A_133 = arith.addf %slice3A_131, %slice3A_132 : vector<6400x128xf32>
    %add3A_134 = vector.broadcast %add3A : vector<1x128xf32> to vector<6400x128xf32>
    %add3A_135 = arith.addf %add3A_133, %add3A_134 : vector<6400x128xf32>
    %logistic3A_136 = arith.negf %add3A_135 : vector<6400x128xf32>
    %logistic3A_137 = math.exp %logistic3A_136 : vector<6400x128xf32>
    %logistic3A_138 = arith.constant 1.000000e+00 : f32
    %logistic3A_139 = vector.broadcast %logistic3A_138 : f32 to vector<6400x128xf32>
    %logistic3A_140 = arith.addf %logistic3A_139, %logistic3A_137 : vector<6400x128xf32>
    %logistic3A_141 = arith.divf %logistic3A_139, %logistic3A_140 : vector<6400x128xf32>
    %slice3A_142 = vector.extract_strided_slice %dot_general3A_127 {offsets = [0, 128], sizes = [6400, 128], strides = [1, 1]} : vector<6400x384xf32> to vector<6400x128xf32>
    %slice3A_143 = vector.extract_strided_slice %dot_general3A_130 {offsets = [0, 128], sizes = [6400, 128], strides = [1, 1]} : vector<6400x256xf32> to vector<6400x128xf32>
    %add3A_144 = arith.addf %slice3A_142, %slice3A_143 : vector<6400x128xf32>
    %add3A_145 = vector.broadcast %add3A_77 : vector<1x128xf32> to vector<6400x128xf32>
    %add3A_146 = arith.addf %add3A_144, %add3A_145 : vector<6400x128xf32>
    %logistic3A_147 = arith.negf %add3A_146 : vector<6400x128xf32>
    %logistic3A_148 = math.exp %logistic3A_147 : vector<6400x128xf32>
    %logistic3A_149 = arith.constant 1.000000e+00 : f32
    %logistic3A_150 = vector.broadcast %logistic3A_149 : f32 to vector<6400x128xf32>
    %logistic3A_151 = arith.addf %logistic3A_150, %logistic3A_148 : vector<6400x128xf32>
    %logistic3A_152 = arith.divf %logistic3A_150, %logistic3A_151 : vector<6400x128xf32>
    %slice3A_153 = vector.extract_strided_slice %dot_general3A_127 {offsets = [0, 256], sizes = [6400, 128], strides = [1, 1]} : vector<6400x384xf32> to vector<6400x128xf32>
    %mul3A_154 = arith.mulf %logistic3A_152, %mul3A_117 : vector<6400x128xf32>
    %convert_element_type3A_155 = arith.truncf %mul3A_154 : vector<6400x128xf32> to vector<6400x128xbf16>
    %convert_element_type3A_156 = arith.truncf %get3A_45 : vector<128x128xf32> to vector<128x128xbf16>
    %dot_general3A_157 = arith.constant dense<0.000000e+00> : vector<6400x128xf32>
    %dot_general3A_158 = tpu.matmul %convert_element_type3A_155, %convert_element_type3A_156, %dot_general3A_157 {dimension_numbers = #tpu.dot_dimension_numbers<[1], [0], [0], [1], [0, 0, 1, 1], [], []>, transpose_lhs_hint = false} : vector<6400x128xbf16>, vector<128x128xbf16>, vector<6400x128xf32> -> vector<6400x128xf32>
    %add3A_159 = arith.addf %slice3A_153, %dot_general3A_158 : vector<6400x128xf32>
    %add3A_160 = vector.broadcast %add3A_86 : vector<1x128xf32> to vector<6400x128xf32>
    %add3A_161 = arith.addf %add3A_159, %add3A_160 : vector<6400x128xf32>
    %tanh3A_162 = math.tanh %add3A_161 : vector<6400x128xf32>
    %mul3A_163 = arith.mulf %logistic3A_141, %mul3A_117 : vector<6400x128xf32>
    %sub3A_164 = arith.constant 1.000000e+00 : f32
    %sub3A_165 = vector.broadcast %sub3A_164 : f32 to vector<6400x128xf32>
    %sub3A_166 = arith.subf %sub3A_165, %logistic3A_141 : vector<6400x128xf32>
    %mul3A_167 = arith.mulf %sub3A_166, %tanh3A_162 : vector<6400x128xf32>
    %add3A_168 = arith.addf %mul3A_163, %mul3A_167 : vector<6400x128xf32>
    %get3A_169 = arith.constant 0 : index
    %get3A_170 = arith.constant 0 : index
    %get3A_171 = vector.load %arg3[%get3A_169, %get3A_170] : memref<1x2xf32, #tpu.memory_space<vmem>>, vector<1x2xf32>
    %exp3A = math.exp %get3A_171 : vector<1x2xf32>
    %reduce_sum3A_172 = vector.shape_cast %exp3A : vector<1x2xf32> to vector<1x1x2xf32>
    %reduce_sum3A_173 = arith.constant dense<0.000000e+00> : vector<1xf32>
    %reduce_sum3A_174 = vector.multi_reduction <add>, %reduce_sum3A_172, %reduce_sum3A_173 [1, 2] : vector<1x1x2xf32> to vector<1xf32>
    %reduce_sum3A_175 = vector.shape_cast %reduce_sum3A_174 : vector<1xf32> to vector<1x1x1xf32>
    %reduce_sum3A_176 = vector.extract %reduce_sum3A_175[0, 0, 0] : f32 from vector<1x1x1xf32>
    %div3A = vector.broadcast %reduce_sum3A_176 : f32 to vector<1x2xf32>
    %div3A_177 = arith.divf %exp3A, %div3A : vector<1x2xf32>
    %slice3A_178 = vector.extract_strided_slice %div3A_177 {offsets = [0, 0], sizes = [1, 1], strides = [1, 1]} : vector<1x2xf32> to vector<1x1xf32>
    %mul3A_179 = vector.broadcast %slice3A_178 : vector<1x1xf32> to vector<6400x128xf32>
    %mul3A_180 = arith.mulf %mul3A_179, %mul3A_117 : vector<6400x128xf32>
    %slice3A_181 = vector.extract_strided_slice %div3A_177 {offsets = [0, 1], sizes = [1, 1], strides = [1, 1]} : vector<1x2xf32> to vector<1x1xf32>
    %mul3A_182 = vector.broadcast %slice3A_181 : vector<1x1xf32> to vector<6400x128xf32>
    %mul3A_183 = arith.mulf %mul3A_182, %add3A_168 : vector<6400x128xf32>
    %add3A_184 = arith.addf %mul3A_180, %mul3A_183 : vector<6400x128xf32>
    %reshape3A_185 = vector.shape_cast %add3A_184 : vector<6400x128xf32> to vector<50x128x128xf32>
    %reduce_sum3A_186 = arith.constant dense<0.000000e+00> : vector<128x128xf32>
    %reduce_sum3A_187 = vector.multi_reduction <add>, %reshape3A_185, %reduce_sum3A_186 [0] : vector<50x128x128xf32> to vector<128x128xf32>
    %mul3A_188 = arith.constant 2.000000e-02 : f32
    %mul3A_189 = vector.broadcast %mul3A_188 : f32 to vector<128x128xf32>
    %mul3A_190 = arith.mulf %reduce_sum3A_187, %mul3A_189 : vector<128x128xf32>
    %get3A_191 = arith.constant 0 : index
    %get3A_192 = arith.constant 0 : index
    %get3A_193 = vector.load %arg16[%get3A_191, %get3A_192] : memref<128x256xf32, #tpu.memory_space<vmem>>, vector<128x256xf32>
    %dot_general3A_194 = arith.constant dense<0.000000e+00> : vector<128x256xf32>
    %dot_general3A_195 = tpu.matmul %mul3A_190, %get3A_193, %dot_general3A_194 {dimension_numbers = #tpu.dot_dimension_numbers<[1], [0], [0], [1], [0, 0, 1, 1], [], []>, transpose_lhs_hint = false} : vector<128x128xf32>, vector<128x256xf32>, vector<128x256xf32> -> vector<128x256xf32>
    %get3A_196 = arith.constant 0 : index
    %get3A_197 = arith.constant 0 : index
    %get3A_198 = vector.load %arg17[%get3A_196, %get3A_197] : memref<1x256xf32, #tpu.memory_space<vmem>>, vector<1x256xf32>
    %add3A_199 = vector.broadcast %get3A_198 : vector<1x256xf32> to vector<128x256xf32>
    %add3A_200 = arith.addf %dot_general3A_195, %add3A_199 : vector<128x256xf32>
    %max3A = arith.constant 0.000000e+00 : f32
    %max3A_201 = vector.broadcast %max3A : f32 to vector<128x256xf32>
    %max3A_202 = arith.maximumf %add3A_200, %max3A_201 : vector<128x256xf32>
    %get3A_203 = arith.constant 0 : index
    %get3A_204 = arith.constant 0 : index
    %get3A_205 = vector.load %arg18[%get3A_203, %get3A_204] : memref<256x1xf32, #tpu.memory_space<vmem>>, vector<256x1xf32>
    %dot_general3A_206 = arith.constant dense<0.000000e+00> : vector<128x1xf32>
    %dot_general3A_207 = tpu.matmul %max3A_202, %get3A_205, %dot_general3A_206 {dimension_numbers = #tpu.dot_dimension_numbers<[1], [0], [0], [1], [0, 0, 1, 1], [], []>, transpose_lhs_hint = false} : vector<128x256xf32>, vector<256x1xf32>, vector<128x1xf32> -> vector<128x1xf32>
    %get3A_208 = arith.constant 0 : index
    %get3A_209 = arith.constant 0 : index
    %get3A_210 = vector.load %arg19[%get3A_208, %get3A_209] : memref<1x1xf32, #tpu.memory_space<vmem>>, vector<1x1xf32>
    %add3A_211 = vector.broadcast %get3A_210 : vector<1x1xf32> to vector<128x1xf32>
    %add3A_212 = arith.addf %dot_general3A_207, %add3A_211 : vector<128x1xf32>
    %swap3A = arith.constant 0 : index
    %swap3A_213 = arith.constant 0 : index
    %swap3A_214 = vector.load %arg21[%swap3A, %swap3A_213] : memref<128x1xf32, #tpu.memory_space<vmem>>, vector<128x1xf32>
    tpu.vector_store %arg21[%swap3A, %swap3A_213], %add3A_212 {strides = array<i32>} : memref<128x1xf32, #tpu.memory_space<vmem>>, vector<128x1xf32>,
    return
  }
  func.func @transform_0(%arg0: i32) -> (i32, i32) {
    %c0_i32 = arith.constant 0 : i32
    %c0_i32_0 = arith.constant 0 : i32
    %c0_i32_1 = arith.constant 0 : i32
    return %c0_i32, %c0_i32_0 : i32, i32
  }
  func.func @transform_1(%arg0: i32) -> (i32, i32) {
    %c0_i32 = arith.constant 0 : i32
    %c0_i32_0 = arith.constant 0 : i32
    %c0_i32_1 = arith.constant 0 : i32
    return %c0_i32, %c0_i32_0 : i32, i32
  }
  func.func @transform_2(%arg0: i32) -> (i32, i32) {
    %c0_i32 = arith.constant 0 : i32
    %c0_i32_0 = arith.constant 0 : i32
    %c0_i32_1 = arith.constant 0 : i32
    return %c0_i32, %c0_i32_0 : i32, i32
  }
  func.func @transform_3(%arg0: i32) -> (i32, i32) {
    %c0_i32 = arith.constant 0 : i32
    %c0_i32_0 = arith.constant 0 : i32
    %c0_i32_1 = arith.constant 0 : i32
    return %c0_i32, %c0_i32_0 : i32, i32
  }
  func.func @transform_4(%arg0: i32) -> (i32, i32) {
    %c0_i32 = arith.constant 0 : i32
    %c0_i32_0 = arith.constant 0 : i32
    %c0_i32_1 = arith.constant 0 : i32
    return %c0_i32, %c0_i32_0 : i32, i32
  }
  func.func @transform_5(%arg0: i32) -> (i32, i32) {
    %c0_i32 = arith.constant 0 : i32
    %c0_i32_0 = arith.constant 0 : i32
    %c0_i32_1 = arith.constant 0 : i32
    return %c0_i32, %c0_i32_0 : i32, i32
  }
  func.func @transform_6(%arg0: i32) -> (i32, i32) {
    %c0_i32 = arith.constant 0 : i32
    %c0_i32_0 = arith.constant 0 : i32
    %c0_i32_1 = arith.constant 0 : i32
    return %c0_i32, %c0_i32_0 : i32, i32
  }
  func.func @transform_7(%arg0: i32) -> (i32, i32) {
    %c0_i32 = arith.constant 0 : i32
    %c0_i32_0 = arith.constant 0 : i32
    %c0_i32_1 = arith.constant 0 : i32
    return %c0_i32, %c0_i32_0 : i32, i32
  }
  func.func @transform_8(%arg0: i32) -> (i32, i32) {
    %c0_i32 = arith.constant 0 : i32
    %c0_i32_0 = arith.constant 0 : i32
    %c0_i32_1 = arith.constant 0 : i32
    return %c0_i32, %c0_i32_0 : i32, i32
  }
  func.func @transform_9(%arg0: i32) -> (i32, i32) {
    %c0_i32 = arith.constant 0 : i32
    %c0_i32_0 = arith.constant 0 : i32
    %c0_i32_1 = arith.constant 0 : i32
    return %c0_i32, %c0_i32_0 : i32, i32
  }
  func.func @transform_10(%arg0: i32) -> (i32, i32) {
    %c0_i32 = arith.constant 0 : i32
    %c0_i32_0 = arith.constant 0 : i32
    %c0_i32_1 = arith.constant 0 : i32
    return %c0_i32, %c0_i32_0 : i32, i32
  }
  func.func @transform_11(%arg0: i32) -> (i32, i32) {
    %c0_i32 = arith.constant 0 : i32
    %c0_i32_0 = arith.constant 0 : i32
    %c0_i32_1 = arith.constant 0 : i32
    return %c0_i32, %c0_i32_0 : i32, i32
  }
  func.func @transform_12(%arg0: i32) -> (i32, i32) {
    %c0_i32 = arith.constant 0 : i32
    %c0_i32_0 = arith.constant 0 : i32
    %c0_i32_1 = arith.constant 0 : i32
    return %c0_i32, %c0_i32_0 : i32, i32
  }
  func.func @transform_13(%arg0: i32) -> (i32, i32) {
    %c0_i32 = arith.constant 0 : i32
    %c0_i32_0 = arith.constant 0 : i32
    %c0_i32_1 = arith.constant 0 : i32
    return %c0_i32, %c0_i32_0 : i32, i32
  }
  func.func @transform_14(%arg0: i32) -> (i32, i32) {
    %c0_i32 = arith.constant 0 : i32
    %c0_i32_0 = arith.constant 0 : i32
    %c0_i32_1 = arith.constant 0 : i32
    return %c0_i32, %c0_i32_0 : i32, i32
  }
  func.func @transform_15(%arg0: i32) -> (i32, i32) {
    %c0_i32 = arith.constant 0 : i32
    %c0_i32_0 = arith.constant 0 : i32
    %c0_i32_1 = arith.constant 0 : i32
    return %c0_i32, %c0_i32_0 : i32, i32
  }
  func.func @transform_16(%arg0: i32) -> (i32, i32) {
    %c0_i32 = arith.constant 0 : i32
    %c0_i32_0 = arith.constant 0 : i32
    %c0_i32_1 = arith.constant 0 : i32
    return %c0_i32, %c0_i32_0 : i32, i32
  }
  func.func @transform_17(%arg0: i32) -> (i32, i32) {
    %c0_i32 = arith.constant 0 : i32
    %c0_i32_0 = arith.constant 0 : i32
    %c0_i32_1 = arith.constant 0 : i32
    return %c0_i32, %c0_i32_0 : i32, i32
  }
  func.func @transform_18(%arg0: i32) -> (i32, i32) {
    %c0_i32 = arith.constant 0 : i32
    %c0_i32_0 = arith.constant 0 : i32
    %c0_i32_1 = arith.constant 0 : i32
    return %c0_i32, %c0_i32_0 : i32, i32
  }
  func.func @transform_19(%arg0: i32) -> (i32, i32, i32) {
    %c0_i32 = arith.constant 0 : i32
    %c0_i32_0 = arith.constant 0 : i32
    %c0_i32_1 = arith.constant 0 : i32
    return %c0_i32, %arg0, %c0_i32_0 : i32, i32, i32
  }
  func.func @transform_20(%arg0: i32) -> (i32, i32) {
    %c0_i32 = arith.constant 0 : i32
    %c0_i32_0 = arith.constant 0 : i32
    return %arg0, %c0_i32 : i32, i32
  }
}

</mosaic_0001>

<sc_bundles>
// kernel: kernel.6.cloned.1.call-start
scs
__scs_entry_jumppad:
0x0: {  	(pc) =	sbr.rel $0x88, $3  }
0x1: {  	(tag) =	ssettag $0x0;
	lr =	simm.s32 $0x1  }
0x2: {  	[smem:$0x3F8D] =	sst lr;
	_ =	strace $0xD0000000  }
0x3: {  	_ = 	snop  }
0x4: {  	_ = 	snop  }
0x5: {  	_ = 	snop  }
0x6: {  	_ = 	snop  }
0x7: {  	_ = 	snop  }
__scs_overlays_trampoline_lowered:
0x8: {  	[smem:$0x3F9C] =	sst s0  }
0x9: {  	[smem:$0x3F9D] =	sst s1  }
0xa: {  	[smem:$0x3F9E] =	sst s2  }
0xb: {  	[smem:$0x3F9F] =	sst s3  }
0xc: {  	[smem:$0x3FA0] =	sst s4  }
0xd: {  	[smem:$0x3FA1] =	sst s5  }
0xe: {  	[smem:$0x3FA2] =	sst s6  }
0xf: {  	[smem:$0x3FA3] =	sst s7  }
0x10: {  	[smem:$0x3FA4] =	sst s8  }
0x11: {  	[smem:$0x3FA5] =	sst s9;
	s0 =	simm.s32 @!p0 $0x0  }
0x12: {  	s1 =	sld [smem:$0x3F8B];
	s0 =	simm.s32 @p0 $0x1  }
0x13: {  	[smem:$0x3FA6] =	sst s0;
	s0 =	simm.s32 @!p1 $0x0  }
0x14: {  	s2 =	sld [smem:$0x3F8A];
	s0 =	simm.s32 @p1 $0x1  }
0x15: {  	[smem:$0x3FA7] =	sst s0;
	s0 =	simm.s32 @!p2 $0x0  }
0x16: {  	s3 =	sld [smem:$0x3FDB];
	s0 =	simm.s32 @p2 $0x1  }
0x17: {  	s4 =	simm.s32 $0x1BF5;
	[smem:$0x3FA9] =	sst s0  }
0x18: {  	s0 =	sld [smem:$0x3F8C];
	_ =	swait.ge [sflag:s4], $0x0  }
0x19: {  	s7 =	sld [smem:$0x3F8D]  }
0x1a: {  	s8 =	sadd.s32 $0xFFFFE003, lr  }
0x1b: {  	s9 =	sadd.s32 $0xFFFFFEF7, lr;
	s5 =	simm.s32 $0xFFFFFFFF;
	p2 =	slt.u32 s8, $0xFFFFF086  }
0x1c: {  	p1 =	slt.u32 s9, $0xF7A;
	s5 =	simm.s32 @!p2 $0x0  }
0x1d: {  	s5 =	simm.s32 @p1 $0x1;
	p0 =	seq.s32 s7, s2  }
0x1e: {  	s7 =	smul.u32 @!p0 $0xF7A, s2;
	p2 =	seq.s32 @!p0 s5, $0x0  }
0x1f: {  	s9 =	smul.u32 $0xF7A, s1;
	s8 =	simm.s32 @!p0 $0x1BF5;
	p2 =	por !p2, p0  }
0x20: {  	[sflag:s8] =	ssyncset.s32 @!p0 $0xFFFFF086;
	s6 =	sadd.s32 @!p0 s3, s7;
	s7 =	simm.s32 @!p0 $0x108  }
0x21: {  	s3 =	sadd.s32 s3, s9;
	s6 =	sadd.s32 @!p0 $0x88, s6;
	s7 =	simm.s32 @p2 $0x1082  }
0x22: {  	[simem:s7], [sflag:s8] =	dma.local @!p0 [hbm:s6], $0xF7A  }
0x23: {  	s9 =	sor.u32 $0xD0000000, s2;
	s6 =	simm.s32 $0x108;
	_ =	swait.ge @!p0 [sflag:s8], $0x0  }
0x24: {  	s3 =	sadd.s32 $0x88, s3;
	s6 =	simm.s32 @!p1 $0x1082;
	[sflag:s4] =	ssyncset.s32 $0xFFFFF086  }
0x25: {  	[simem:s6], [sflag:s4] =	dma.local [hbm:s3], $0xF7A  }
0x26: {  	[smem:$0x3F8D] =	sst s1;
	(tag) =	ssettag s2;
	_ =	strace s9  }
0x27: {  	s1 =	sld [smem:$0x3F9D]  }
0x28: {  	s2 =	sld [smem:$0x3F9E]  }
0x29: {  	s4 =	sld [smem:$0x3FA0]  }
0x2a: {  	p0 =	seq.s32 s5, $0x0;
	s5 =	sld [smem:$0x3FA1]  }
0x2b: {  	s6 =	sld [smem:$0x3FA2]  }
0x2c: {  	s7 =	sld [smem:$0x3FA3]  }
0x2d: {  	s3 =	simm.s32 $0x108;
	s8 =	sld [smem:$0x3FA4]  }
0x2e: {  	s3 =	simm.s32 @!p0 $0x1082;
	s9 =	sld [smem:$0x3FA5]  }
0x2f: {  	lr =	sadd.s32 s0, s3;
	s0 =	sld [smem:$0x3F9C]  }
0x30: {  	s3 =	sld [smem:$0x3F9F]  }
0x31: {  	[smem:$0x3FA8] =	sst s10  }
0x32: {  	s10 =	sld [smem:$0x3FA6];
	_ =	sdelay $0x3  }
0x33: {  	p0 =	seq.s32 s10, $0x1;
	s10 =	sld [smem:$0x3FA8];
	_ =	sdelay $0x3  }
0x34: {  	[smem:$0x3FA8] =	sst s10  }
0x35: {  	s10 =	sld [smem:$0x3FA7];
	_ =	sdelay $0x3  }
0x36: {  	p1 =	seq.s32 s10, $0x1;
	s10 =	sld [smem:$0x3FA8];
	_ =	sdelay $0x3  }
0x37: {  	[smem:$0x3FA8] =	sst s10  }
0x38: {  	s10 =	sld [smem:$0x3FA9]  }
0x39: {  	_ = 	snop;
	(pc) =	sbr.ind lr, $3  }
0x3a: {  	_ = 	snop  }
0x3b: {  	_ = 	snop  }
0x3c: {  	p2 =	seq.s32 s10, $0x1;
	s10 =	sld [smem:$0x3FA8]  }
0x3d: {  	_ =	shalt  }
0x3e: {  	_ =	shalt  }
0x3f: {  	_ =	shalt  }
0x40: {  	_ =	shalt  }
0x41: {  	_ =	shalt  }
0x42: {  	_ =	shalt  }
0x43: {  	_ =	shalt  }
0x44: {  	_ =	shalt  }
0x45: {  	_ =	shalt  }
0x46: {  	_ =	shalt  }
0x47: {  	_ =	shalt  }
0x48: {  	_ =	shalt  }
0x49: {  	_ =	shalt  }
0x4a: {  	_ =	shalt  }
0x4b: {  	_ =	shalt  }
0x4c: {  	_ =	shalt  }
0x4d: {  	_ =	shalt  }
0x4e: {  	_ =	shalt  }
0x4f: {  	_ =	shalt  }
0x50: {  	_ =	shalt  }
0x51: {  	_ =	shalt  }
0x52: {  	_ =	shalt  }
0x53: {  	_ =	shalt  }
0x54: {  	_ =	shalt  }
0x55: {  	_ =	shalt  }
0x56: {  	_ =	shalt  }
0x57: {  	_ =	shalt  }
0x58: {  	_ =	shalt  }
0x59: {  	_ =	shalt  }
0x5a: {  	_ =	shalt  }
0x5b: {  	_ =	shalt  }
0x5c: {  	_ =	shalt  }
0x5d: {  	_ =	shalt  }
0x5e: {  	_ =	shalt  }
0x5f: {  	_ =	shalt  }
0x60: {  	_ =	shalt  }
0x61: {  	_ =	shalt  }
0x62: {  	_ =	shalt  }
0x63: {  	_ =	shalt  }
0x64: {  	_ =	shalt  }
0x65: {  	_ =	shalt  }
0x66: {  	_ =	shalt  }
0x67: {  	_ =	shalt  }
0x68: {  	_ =	shalt  }
0x69: {  	_ =	shalt  }
0x6a: {  	_ =	shalt  }
0x6b: {  	_ =	shalt  }
0x6c: {  	_ =	shalt  }
0x6d: {  	_ =	shalt  }
0x6e: {  	_ =	shalt  }
0x6f: {  	_ =	shalt  }
0x70: {  	_ =	shalt  }
0x71: {  	_ =	shalt  }
0x72: {  	_ =	shalt  }
0x73: {  	_ =	shalt  }
0x74: {  	_ =	shalt  }
0x75: {  	_ =	shalt  }
0x76: {  	_ =	shalt  }
0x77: {  	_ =	shalt  }
0x78: {  	_ =	shalt  }
0x79: {  	_ =	shalt  }
0x7a: {  	_ =	shalt  }
0x7b: {  	_ =	shalt  }
0x7c: {  	_ =	shalt  }
0x7d: {  	_ =	shalt  }
0x7e: {  	_ =	shalt  }
0x7f: {  	_ =	shalt  }
0x80: {  	_ =	shalt  }
0x81: {  	_ =	shalt  }
0x82: {  	_ =	shalt  }
0x83: {  	_ =	shalt  }
0x84: {  	_ =	shalt  }
0x85: {  	_ =	shalt  }
0x86: {  	_ =	shalt  }
0x87: {  	_ =	shalt  }
.Lfunc_end0:
.L_simem_size_0:
called_computation_lowered:
.L_overlay_start_0:
0x88: {  	s2 =	sld [smem:$0x3FD9]  }
0x89: {  	s3 =	sld [smem:$0x3FFE];
	_ =	sdelay $0x1  }
0x8a: {  	s1 =	srdreg.scid  }
0x8b: {  	s0 =	sand.u32 $0x1, s1  }
0x8c: {  	s17 =	sshll.u32 s0, $0xA;
	s2 =	sadd.s32 s3, s2  }
0x8d: {  	s2 =	sadd.s32 s2, s17  }
0x8e: {  	[smem:$0x3FB4] =	sst s2  }
0x8f: {  	_ = 	snop  }
0x90: {  	s2 =	sld [smem:$0x3FC7];
	(tm) =	ssettm $0x1  }
0x91: {  	s18 =	sld [smem:$0x3FFB];
	_ =	sdelay $0x3  }
0x92: {  	_ =	strace s18  }
0x93: {  	s3 =	sld [smem:$0x3FFC];
	_ =	sdelay $0x3  }
0x94: {  	_ =	strace s3  }
0x95: {  	s3 =	sld [smem:$0x3FFD];
	_ =	sdelay $0x3  }
0x96: {  	_ =	strace s3  }
0x97: {  	_ =	strace $0x8FFFFFFF  }
0x98: {  	s19 =	sld [smem:$0x3FDB];
	_ =	sdelay $0x1  }
0x99: {  	s4 =	simm.s32 $_scs_section_size  }
0x9a: {  	s5 =	simm.s32 $_size__tile_overlayer_lowered;
	s6 =	simm.s32 $_tile_overlayer_lowered  }
0x9b: {  	s22 =	simm.s32 $0x1BFF;
	s21 =	sshll.u32 s6, $0x1;
	s3 =	sadd.s32 s4, s19  }
0x9c: {  	s7 =	simm.s32 $0x0;
	s20 =	sshll.u32 s5, $0x1;
	s5 =	sadd.s32 s21, s3  }
0x9d: {  	[timem:s7], [sflag:s22] =	dma.local [hbm:s5], s20  }
0x9e: {  	_ =	swait.ge [sflag:s22], s20  }
0x9f: {  	s4 =	ssub.s32 $0x0, s20;
	[sflag:s22] =	ssyncset.done $0x0  }
0xa0: {  	[sflag:s22] =	ssyncadd.s32 s4;
	_ =	sdelay $0x1  }
0xa1: {  	s23 =	simm.s32 $0x1B8B  }
0xa2: {  	_ =	swait.ge [sflag:s23], $0x1  }
0xa3: {  	[sflag:s23] =	ssyncset.done $0x0  }
0xa4: {  	s25 =	simm.s32 $0x1B8E;
	s24 =	sld [smem:$0x3FFE];
	[sflag:s23] =	ssyncadd.s32 $0xFFFFFFFF  }
0xa5: {  	s26 =	simm.s32 $execute0_lowered;
	[smem:$0x3FD2] =	sst s25  }
0xa6: {  	s5 =	sshll.u32 s26, $0x1;
	_ =	strace $0x80000046;
	[dreg:$0x1] =	wrdreg $0xFFFFFFFF  }
0xa7: {  	s28 =	simm.s32 $_size_execute0_lowered;
	s3 =	sadd.s32 s3, s5;
	[dreg:$0x0] =	wrdreg $0x0  }
0xa8: {  	s5 =	sshll.u32 s28, $0x1;
	[dreg:$0x2] =	wrdreg s3  }
0xa9: {  	[dreg:$0x3] =	wrdreg s5  }
0xaa: {  	[dreg:$0x4] =	wrdreg $0xC0  }
0xab: {  	_ =	task [dreg:s7], $0x5FFFF  }
0xac: {  	[dreg:$0x1] =	wrdreg $0xFFFFFFFF  }
0xad: {  	[dreg:$0x0] =	wrdreg $0x60  }
0xae: {  	[dreg:$0x2] =	wrdreg s2  }
0xaf: {  	[dreg:$0x3] =	wrdreg s24  }
0xb0: {  	[dreg:$0x4] =	wrdreg $0x9  }
0xb1: {  	_ =	task.clear_ibuf [dreg:s7], $0x5FFFF;
	_ =	strace $0x90000046  }
0xb2: {  	s29 =	simm.s32 $0x9;
	_ =	strace $0x80000048  }
0xb3: {  	_ =	swait.ge [sflag:s29], $0x1  }
0xb4: {  	[sflag:s29] =	ssyncadd.s32 $0xFFFFFFFF  }
0xb5: {  	_ =	strace $0x90000048  }
0xb6: {  	_ =	sfence  }
0xb7: {  	s30 =	sld [smem:$0x0];
	_ =	sdelay $0x2  }
0xb8: {  	s31 =	sshll.u32 s1, $0xD;
	s1 =	sshrl.u32 s1, $0x2  }
0xb9: {  	s3 =	sand.u32 $0x4000, s31;
	s1 =	sadd.s32 s1, s30  }
0xba: {  	s0 =	sor.u32 s3, s0;
	s1 =	sshll.u32 s1, $0x11  }
0xbb: {  	s0 =	sor.u32 s1, s0  }
0xbc: {  	s0 =	sadd.s32 $0x8F2B, s0  }
0xbd: {  	[sflag:s0] =	ssyncadd.remote.s32 $0x1  }
0xbe: {  	_ =	sfence.sel $0xFFFF  }
0xbf: {  	[dreg:$0x0] =	wrdreg $0xFFFFFFFF;
	(pc) =	sbr.abs _section_cstart, $3  }
0xc0: {  	[dreg:$0x1] =	wrdreg $0xFFFFFFFF  }
0xc1: {  	_ =	task.clear_ibuf [dreg:s7], $0x2FFFF;
	_ =	strace $0x9FFFFFFF  }
0xc2: {  	(tm) =	ssettm $0x7FFFFFFF  }
0xc3: {  	_ =	shalt  }
tec
execute0_lowered:
.L_overlay_start_1:
0x0: {  	(tag) =	ssettag $0x1  }
0x1: {  	s1 =	srdreg.scid;
	s2 =	rddreg [dreg:$0x0]  }
0x2: {  	s0 =	stileid.u32;
	s4 =	rddreg [dreg:$0x1];
	s3 =	simm.s32 $0x0  }
0x3: {  	s11 =	simm.s32 $0xC00;
	s12 =	simm.s32 $0x3400;
	s13 =	simm.s32 $0x1  }
0x4: {  	s14 =	simm.s32 $0x2;
	s15 =	simm.s32 $0x980;
	s16 =	simm.s32 $0x0  }
0x5: {  	s6 =	sand.u32 $0x1, s1;
	s25 =	sshll.u32 s0, $0x1;
	s1 =	rddreg [dreg:$0x2]  }
0x6: {  	[smem:$0x7FF] =	sst s3;
	s29 =	smul.u32 $0xC800, s0;
	s5 =	sor.u32 s6, s25  }
0x7: {  	s9 =	sadd.s32 $0x6000, s4;
	s8 =	ssub.s32 $0x2, s6;
	s7 =	smul.u32 $0x180, s5  }
0x8: {  	_ =	strace $0x80000047;
	s26 =	sshrl.u32 s8, $0x1;
	s10 =	smul.u32 $0x6400, s5  }
0x9: {  	s31 =	smul.u32 $0x6400, s6;
	s28 =	ssub.s32 s8, s26;
	s8 =	sadd.s32 s29, s9  }
0xa: {  	s7 =	sadd.s32 s7, s4;
	s5 =	smax.u32 s28, $0x1;
	s30 =	sadd.s32 s9, s10  }
0xb: {  	s8 =	sadd.s32 s31, s8;
	s9 =	simm.s32 $0x3;
	s10 =	simm.s32 $0x50  }
0xc: {  	s4 =	sadd.s32 $0x3000, s7;
	s6 =	sadd.s32 $0x5A00, s30;
	s7 =	sadd.s32 $0x5F00, s30  }
.LBB2_1:
0xd: {  	[tilespmem:s3], [sflag:$0x3] =	stream.linear.gather [hbm4b:s4+s3], $0xA00, $0x38;
	[tilespmem:$0x5C00] =	vst v63  }
0xe: {  	_ =	swait.ge [sflag:s9], $0xA00  }
0xf: {  	[sflag:s9] =	ssyncset.done $0x0  }
0x10: {  	[sflag:s9] =	ssyncadd.s32 $0xFFFFF600  }
0x11: {  	[tilespmem:s11], [sflag:$0x1] =	stream.indirect.gather [hbm4b:s2+s10], $0x80, s3, s10, $0xb8;
	[tilespmem:$0x5C00] =	vst v63  }
0x12: {  	s17 =	simm.s32 $0x80  }
0x13: {  	[tilespmem:s12], [sflag:$0x2] =	stream.indirect.gather [hbm4b:s2+s10], $0x80, s17, s10, $0xb8;
	[tilespmem:$0x5C00] =	vst v63  }
0x14: {  	_ =	swait.ge [sflag:s13], $0x2800  }
0x15: {  	[sflag:s13] =	ssyncset.done $0x0  }
0x16: {  	s18 =	sadd.s32 $0x0, s8;
	[sflag:s13] =	ssyncadd.s32 $0xFFFFD800  }
0x17: {  	[hbm4b:s18+s3] =	stream.linear.scatter [tilespmem:s11], [sflag:$0x3], $0x2800, $0x38;
	[tilespmem:$0x5C00] =	vst v63  }
0x18: {  	_ =	swait.ge [sflag:s9], $0x2800  }
0x19: {  	[sflag:s9] =	ssyncset.done $0x0  }
0x1a: {  	s19 =	simm.s32 $0x100;
	[sflag:s9] =	ssyncadd.s32 $0xFFFFD800  }
0x1b: {  	[tilespmem:s11], [sflag:$0x1] =	stream.indirect.gather [hbm4b:s2+s10], $0x80, s19, s10, $0xb8;
	[tilespmem:$0x5C00] =	vst v63  }
0x1c: {  	_ =	swait.ge [sflag:s14], $0x2800  }
0x1d: {  	[sflag:s14] =	ssyncset.done $0x0  }
0x1e: {  	s18 =	sadd.s32 $0x500, s18;
	[sflag:s14] =	ssyncadd.s32 $0xFFFFD800  }
0x1f: {  	[hbm4b:s18+s3] =	stream.linear.scatter [tilespmem:s12], [sflag:$0x3], $0x2800, $0x38;
	[tilespmem:$0x5C00] =	vst v63  }
0x20: {  	_ =	swait.ge [sflag:s9], $0x2800  }
0x21: {  	s18 =	simm.s32 $0xA00;
	[sflag:s9] =	ssyncset.done $0x0  }
.LBB2_2:
0x22: {  	p0 =	sne.s32 s18, $0x5000;
	[sflag:s9] =	ssyncadd.s32 $0xFFFFD800;
	s17 =	sadd.s32 $0x100, s17  }
0x23: {  	[tilespmem:s12], [sflag:$0x2] =	stream.indirect.gather [hbm4b:s2+s10], $0x80, s17, s10, $0xb8;
	[tilespmem:$0x5C00] =	vst v63  }
0x24: {  	s19 =	smov.u32 s18;
	s18 =	sadd.s32 $0xA00, s18;
	_ =	swait.ge [sflag:s13], $0x2800  }
0x25: {  	[sflag:s13] =	ssyncset.done $0x0  }
0x26: {  	s19 =	sadd.s32 s19, s8;
	[sflag:s13] =	ssyncadd.s32 $0xFFFFD800  }
0x27: {  	[hbm4b:s19+s3] =	stream.linear.scatter [tilespmem:s11], [sflag:$0x3], $0x2800, $0x38;
	[tilespmem:$0x5C00] =	vst v63  }
0x28: {  	_ =	swait.ge [sflag:s9], $0x2800  }
0x29: {  	[sflag:s9] =	ssyncset.done $0x0  }
0x2a: {  	s20 =	sadd.s32 $0x80, s17;
	[sflag:s9] =	ssyncadd.s32 $0xFFFFD800  }
0x2b: {  	[tilespmem:s11], [sflag:$0x1] =	stream.indirect.gather [hbm4b:s2+s10], $0x80, s20, s10, $0xb8;
	[tilespmem:$0x5C00] =	vst v63  }
0x2c: {  	_ =	swait.ge [sflag:s14], $0x2800  }
.Ltmp0:
0x2d: {  	[sflag:s14] =	ssyncset.done $0x0;
	(pc) =	sbr.rel @p0 .LBB2_2-.Ltmp0, $4  }
0x2e: {  	s19 =	sadd.s32 $0x500, s19;
	[sflag:s14] =	ssyncadd.s32 $0xFFFFD800  }
0x2f: {  	[hbm4b:s19+s3] =	stream.linear.scatter [tilespmem:s12], [sflag:$0x3], $0x2800, $0x38;
	[tilespmem:$0x5C00] =	vst v63  }
0x30: {  	_ =	swait.ge [sflag:s9], $0x2800  }
0x31: {  	[sflag:s9] =	ssyncset.done $0x0  }
0x32: {  	[sflag:s9] =	ssyncadd.s32 $0xFFFFD800  }
0x33: {  	[tilespmem:s12], [sflag:$0x2] =	stream.indirect.gather [hbm4b:s2+s10], $0x80, s15, s10, $0xb8;
	[tilespmem:$0x5C00] =	vst v63  }
0x34: {  	_ =	swait.ge [sflag:s13], $0x2800  }
0x35: {  	[sflag:s13] =	ssyncset.done $0x0  }
0x36: {  	[sflag:s13] =	ssyncadd.s32 $0xFFFFD800  }
0x37: {  	[hbm4b:s6+s3] =	stream.linear.scatter [tilespmem:s11], [sflag:$0x3], $0x2800, $0x38;
	[tilespmem:$0x5C00] =	vst v63  }
0x38: {  	_ =	swait.ge [sflag:s9], $0x2800  }
0x39: {  	[sflag:s9] =	ssyncset.done $0x0  }
0x3a: {  	[sflag:s9] =	ssyncadd.s32 $0xFFFFD800  }
0x3b: {  	s16 =	sadd.s32 $0x1, s16;
	_ =	swait.ge [sflag:s14], $0x2800  }
0x3c: {  	p0 =	sne.s32 s16, s5;
	[sflag:s14] =	ssyncset.done $0x0  }
.Ltmp1:
0x3d: {  	[sflag:s14] =	ssyncadd.s32 $0xFFFFD800;
	(pc) =	sbr.rel @p0 .LBB2_1-.Ltmp1, $4  }
0x3e: {  	[hbm4b:s7+s3] =	stream.linear.scatter [tilespmem:s12], [sflag:$0x3], $0x2800, $0x38;
	[tilespmem:$0x5C00] =	vst v63  }
0x3f: {  	_ =	swait.ge [sflag:s9], $0x2800  }
0x40: {  	[sflag:s9] =	ssyncset.done $0x0  }
0x41: {  	[sflag:s9] =	ssyncadd.s32 $0xFFFFD800  }
0x42: {  	_ =	sfence.sel $0x180000  }
0x43: {  	[bflag:$0x0] =	sbarrier.arrive $0xFFFF  }
0x44: {  	p0 =	sne.s32 s0, $0x0;
	_ =	strace $0x90000047  }
0x45: {  	s0 =	sadd.s32 @!p0 $0x100000, s1;
	[bflag:$0x2] =	sbarrier.arrive $0xFFFF  }
0x46: {  	[sflag:s0] =	ssyncadd.tile.s32 @!p0 $0x1;
	_ =	shalt  }
.Lfunc_end2:
_tile_overlayer_lowered:
.L_overlay_start_2:
0x47: {  	(tag) =	ssettag $0x2  }
0x48: {  	s0 =	rddreg [dreg:$0x0];
	s2 =	stileid.u32  }
0x49: {  	s1 =	rddreg [dreg:$0x1];
	p0 =	sne.s32 s2, $0x0  }
0x4a: {  	s3 =	rddreg [dreg:$0x2];
	[bflag:$0x3] =	sbarrier.arrive $0xFFFF;
	s2 =	simm.s32 @!p0 $0x1C03  }
0x4b: {  	[timem:s3], [sflag:s2] =	dma.local @!p0 [hbm:s0], s1  }
0x4c: {  	s0 =	simm.s32 @!p0 $0x3  }
0x4d: {  	_ =	swait.ge @!p0 [sflag:s0], s1  }
0x4e: {  	s1 =	ssub.s32 @!p0 $0x0, s1;
	[sflag:s0] =	ssyncset.done @!p0 $0x0  }
0x4f: {  	[sflag:s0] =	ssyncadd.s32 @!p0 s1  }
0x50: {  	[bflag:$0x3] =	sbarrier.arrive $0xFFFF  }
0x51: {  	_ =	shalt  }

// kernel: kernel.9.cloned.1.call-start
scs
__scs_entry_jumppad:
0x0: {  	(pc) =	sbr.rel $0x88, $3  }
0x1: {  	(tag) =	ssettag $0x0;
	lr =	simm.s32 $0x1  }
0x2: {  	[smem:$0x3F8D] =	sst lr;
	_ =	strace $0xD0000000  }
0x3: {  	_ = 	snop  }
0x4: {  	_ = 	snop  }
0x5: {  	_ = 	snop  }
0x6: {  	_ = 	snop  }
0x7: {  	_ = 	snop  }
__scs_overlays_trampoline_lowered:
0x8: {  	[smem:$0x3F9C] =	sst s0  }
0x9: {  	[smem:$0x3F9D] =	sst s1  }
0xa: {  	[smem:$0x3F9E] =	sst s2  }
0xb: {  	[smem:$0x3F9F] =	sst s3  }
0xc: {  	[smem:$0x3FA0] =	sst s4  }
0xd: {  	[smem:$0x3FA1] =	sst s5  }
0xe: {  	[smem:$0x3FA2] =	sst s6  }
0xf: {  	[smem:$0x3FA3] =	sst s7  }
0x10: {  	[smem:$0x3FA4] =	sst s8  }
0x11: {  	[smem:$0x3FA5] =	sst s9;
	s0 =	simm.s32 @!p0 $0x0  }
0x12: {  	s1 =	sld [smem:$0x3F8B];
	s0 =	simm.s32 @p0 $0x1  }
0x13: {  	[smem:$0x3FA6] =	sst s0;
	s0 =	simm.s32 @!p1 $0x0  }
0x14: {  	s2 =	sld [smem:$0x3F8A];
	s0 =	simm.s32 @p1 $0x1  }
0x15: {  	[smem:$0x3FA7] =	sst s0;
	s0 =	simm.s32 @!p2 $0x0  }
0x16: {  	s3 =	sld [smem:$0x3FDB];
	s0 =	simm.s32 @p2 $0x1  }
0x17: {  	s4 =	simm.s32 $0x1BF5;
	[smem:$0x3FA9] =	sst s0  }
0x18: {  	s0 =	sld [smem:$0x3F8C];
	_ =	swait.ge [sflag:s4], $0x0  }
0x19: {  	s7 =	sld [smem:$0x3F8D]  }
0x1a: {  	s8 =	sadd.s32 $0xFFFFE003, lr  }
0x1b: {  	s9 =	sadd.s32 $0xFFFFFEF7, lr;
	s5 =	simm.s32 $0xFFFFFFFF;
	p2 =	slt.u32 s8, $0xFFFFF086  }
0x1c: {  	p1 =	slt.u32 s9, $0xF7A;
	s5 =	simm.s32 @!p2 $0x0  }
0x1d: {  	s5 =	simm.s32 @p1 $0x1;
	p0 =	seq.s32 s7, s2  }
0x1e: {  	s7 =	smul.u32 @!p0 $0xF7A, s2;
	p2 =	seq.s32 @!p0 s5, $0x0  }
0x1f: {  	s9 =	smul.u32 $0xF7A, s1;
	s8 =	simm.s32 @!p0 $0x1BF5;
	p2 =	por !p2, p0  }
0x20: {  	[sflag:s8] =	ssyncset.s32 @!p0 $0xFFFFF086;
	s6 =	sadd.s32 @!p0 s3, s7;
	s7 =	simm.s32 @!p0 $0x108  }
0x21: {  	s3 =	sadd.s32 s3, s9;
	s6 =	sadd.s32 @!p0 $0x88, s6;
	s7 =	simm.s32 @p2 $0x1082  }
0x22: {  	[simem:s7], [sflag:s8] =	dma.local @!p0 [hbm:s6], $0xF7A  }
0x23: {  	s9 =	sor.u32 $0xD0000000, s2;
	s6 =	simm.s32 $0x108;
	_ =	swait.ge @!p0 [sflag:s8], $0x0  }
0x24: {  	s3 =	sadd.s32 $0x88, s3;
	s6 =	simm.s32 @!p1 $0x1082;
	[sflag:s4] =	ssyncset.s32 $0xFFFFF086  }
0x25: {  	[simem:s6], [sflag:s4] =	dma.local [hbm:s3], $0xF7A  }
0x26: {  	[smem:$0x3F8D] =	sst s1;
	(tag) =	ssettag s2;
	_ =	strace s9  }
0x27: {  	s1 =	sld [smem:$0x3F9D]  }
0x28: {  	s2 =	sld [smem:$0x3F9E]  }
0x29: {  	s4 =	sld [smem:$0x3FA0]  }
0x2a: {  	p0 =	seq.s32 s5, $0x0;
	s5 =	sld [smem:$0x3FA1]  }
0x2b: {  	s6 =	sld [smem:$0x3FA2]  }
0x2c: {  	s7 =	sld [smem:$0x3FA3]  }
0x2d: {  	s3 =	simm.s32 $0x108;
	s8 =	sld [smem:$0x3FA4]  }
0x2e: {  	s3 =	simm.s32 @!p0 $0x1082;
	s9 =	sld [smem:$0x3FA5]  }
0x2f: {  	lr =	sadd.s32 s0, s3;
	s0 =	sld [smem:$0x3F9C]  }
0x30: {  	s3 =	sld [smem:$0x3F9F]  }
0x31: {  	[smem:$0x3FA8] =	sst s10  }
0x32: {  	s10 =	sld [smem:$0x3FA6];
	_ =	sdelay $0x3  }
0x33: {  	p0 =	seq.s32 s10, $0x1;
	s10 =	sld [smem:$0x3FA8];
	_ =	sdelay $0x3  }
0x34: {  	[smem:$0x3FA8] =	sst s10  }
0x35: {  	s10 =	sld [smem:$0x3FA7];
	_ =	sdelay $0x3  }
0x36: {  	p1 =	seq.s32 s10, $0x1;
	s10 =	sld [smem:$0x3FA8];
	_ =	sdelay $0x3  }
0x37: {  	[smem:$0x3FA8] =	sst s10  }
0x38: {  	s10 =	sld [smem:$0x3FA9]  }
0x39: {  	_ = 	snop;
	(pc) =	sbr.ind lr, $3  }
0x3a: {  	_ = 	snop  }
0x3b: {  	_ = 	snop  }
0x3c: {  	p2 =	seq.s32 s10, $0x1;
	s10 =	sld [smem:$0x3FA8]  }
0x3d: {  	_ =	shalt  }
0x3e: {  	_ =	shalt  }
0x3f: {  	_ =	shalt  }
0x40: {  	_ =	shalt  }
0x41: {  	_ =	shalt  }
0x42: {  	_ =	shalt  }
0x43: {  	_ =	shalt  }
0x44: {  	_ =	shalt  }
0x45: {  	_ =	shalt  }
0x46: {  	_ =	shalt  }
0x47: {  	_ =	shalt  }
0x48: {  	_ =	shalt  }
0x49: {  	_ =	shalt  }
0x4a: {  	_ =	shalt  }
0x4b: {  	_ =	shalt  }
0x4c: {  	_ =	shalt  }
0x4d: {  	_ =	shalt  }
0x4e: {  	_ =	shalt  }
0x4f: {  	_ =	shalt  }
0x50: {  	_ =	shalt  }
0x51: {  	_ =	shalt  }
0x52: {  	_ =	shalt  }
0x53: {  	_ =	shalt  }
0x54: {  	_ =	shalt  }
0x55: {  	_ =	shalt  }
0x56: {  	_ =	shalt  }
0x57: {  	_ =	shalt  }
0x58: {  	_ =	shalt  }
0x59: {  	_ =	shalt  }
0x5a: {  	_ =	shalt  }
0x5b: {  	_ =	shalt  }
0x5c: {  	_ =	shalt  }
0x5d: {  	_ =	shalt  }
0x5e: {  	_ =	shalt  }
0x5f: {  	_ =	shalt  }
0x60: {  	_ =	shalt  }
0x61: {  	_ =	shalt  }
0x62: {  	_ =	shalt  }
0x63: {  	_ =	shalt  }
0x64: {  	_ =	shalt  }
0x65: {  	_ =	shalt  }
0x66: {  	_ =	shalt  }
0x67: {  	_ =	shalt  }
0x68: {  	_ =	shalt  }
0x69: {  	_ =	shalt  }
0x6a: {  	_ =	shalt  }
0x6b: {  	_ =	shalt  }
0x6c: {  	_ =	shalt  }
0x6d: {  	_ =	shalt  }
0x6e: {  	_ =	shalt  }
0x6f: {  	_ =	shalt  }
0x70: {  	_ =	shalt  }
0x71: {  	_ =	shalt  }
0x72: {  	_ =	shalt  }
0x73: {  	_ =	shalt  }
0x74: {  	_ =	shalt  }
0x75: {  	_ =	shalt  }
0x76: {  	_ =	shalt  }
0x77: {  	_ =	shalt  }
0x78: {  	_ =	shalt  }
0x79: {  	_ =	shalt  }
0x7a: {  	_ =	shalt  }
0x7b: {  	_ =	shalt  }
0x7c: {  	_ =	shalt  }
0x7d: {  	_ =	shalt  }
0x7e: {  	_ =	shalt  }
0x7f: {  	_ =	shalt  }
0x80: {  	_ =	shalt  }
0x81: {  	_ =	shalt  }
0x82: {  	_ =	shalt  }
0x83: {  	_ =	shalt  }
0x84: {  	_ =	shalt  }
0x85: {  	_ =	shalt  }
0x86: {  	_ =	shalt  }
0x87: {  	_ =	shalt  }
.Lfunc_end0:
.L_simem_size_0:
called_computation.1_lowered:
.L_overlay_start_0:
0x88: {  	s2 =	sld [smem:$0x3FD9]  }
0x89: {  	s3 =	sld [smem:$0x3FFE];
	_ =	sdelay $0x1  }
0x8a: {  	s1 =	srdreg.scid  }
0x8b: {  	s0 =	sand.u32 $0x1, s1  }
0x8c: {  	s17 =	sshll.u32 s0, $0xA;
	s2 =	sadd.s32 s3, s2  }
0x8d: {  	s2 =	sadd.s32 s2, s17  }
0x8e: {  	[smem:$0x3FB4] =	sst s2  }
0x8f: {  	_ = 	snop  }
0x90: {  	s18 =	sld [smem:$0x3FC7];
	(tm) =	ssettm $0x1  }
0x91: {  	s19 =	sld [smem:$0x3FFB];
	_ =	sdelay $0x3  }
0x92: {  	_ =	strace s19  }
0x93: {  	s2 =	sld [smem:$0x3FFC];
	_ =	sdelay $0x3  }
0x94: {  	_ =	strace s2  }
0x95: {  	s2 =	sld [smem:$0x3FFD];
	_ =	sdelay $0x3  }
0x96: {  	_ =	strace s2  }
0x97: {  	_ =	strace $0x8FFFFFFF  }
0x98: {  	s20 =	sld [smem:$0x3FDB];
	_ =	sdelay $0x1  }
0x99: {  	s4 =	simm.s32 $_scs_section_size  }
0x9a: {  	s5 =	simm.s32 $_size__tile_overlayer_lowered;
	s6 =	simm.s32 $_tile_overlayer_lowered  }
0x9b: {  	s7 =	simm.s32 $0x1BFF;
	s21 =	sshll.u32 s6, $0x1;
	s4 =	sadd.s32 s4, s20  }
0x9c: {  	s22 =	simm.s32 $0x0;
	s5 =	sshll.u32 s5, $0x1;
	s6 =	sadd.s32 s21, s4  }
0x9d: {  	[timem:s22], [sflag:s7] =	dma.local [hbm:s6], s5  }
0x9e: {  	_ =	swait.ge [sflag:s7], s5  }
0x9f: {  	s5 =	ssub.s32 $0x0, s5;
	[sflag:s7] =	ssyncset.done $0x0  }
0xa0: {  	[sflag:s7] =	ssyncadd.s32 s5;
	_ =	sdelay $0x1  }
0xa1: {  	s23 =	simm.s32 $0x1B8B  }
0xa2: {  	_ =	swait.ge [sflag:s23], $0x1  }
0xa3: {  	[sflag:s23] =	ssyncset.done $0x0  }
0xa4: {  	[sflag:s23] =	ssyncadd.s32 $0xFFFFFFFF  }
0xa5: {  	s5 =	sld [smem:$0x0]  }
0xa6: {  	s6 =	sand.u32 $0xFFFFFFFE, s1  }
0xa7: {  	p0 =	sne.s32 s1, s6  }
0xa8: {  	s6 =	sshll.u32 @p0 s6, $0xE  }
0xa9: {  	s6 =	sadd.s32 @p0 $0x11B8D, s6;
	s7 =	sshll.u32 @p0 s5, $0x11  }
0xaa: {  	s6 =	sor.u32 @p0 s7, s6  }
0xab: {  	[sflag:s6] =	ssyncadd.remote.s32 @p0 $0x1;
	_ =	sdelay $0x1  }
0xac: {  	s6 =	simm.s32 @p0 $0x1B8D  }
0xad: {  	_ =	swait.eq @p0 [sflag:s6], $0x1  }
0xae: {  	[sflag:s6] =	ssyncadd.s32 @p0 $0xFFFFFFFF  }
0xaf: {  	s7 =	sshll.u32 @!p0 s1, $0xE  }
0xb0: {  	s7 =	sor.u32 @!p0 $0x4000, s7;
	s6 =	simm.s32 @!p0 $0x1B8D  }
0xb1: {  	s5 =	sshll.u32 @!p0 s5, $0x11;
	s7 =	sadd.s32 @!p0 $0x11B8D, s7;
	_ =	swait.eq @!p0 [sflag:s6], $0x1  }
0xb2: {  	s5 =	sor.u32 @!p0 s5, s7;
	[sflag:s6] =	ssyncadd.s32 @!p0 $0xFFFFFFFF  }
0xb3: {  	s25 =	simm.s32 $0x1B8E;
	s24 =	sld [smem:$0x3FFE];
	[sflag:s5] =	ssyncadd.remote.s32 @!p0 $0x1  }
0xb4: {  	s26 =	simm.s32 $execute0_lowered;
	[smem:$0x3FD2] =	sst s25  }
0xb5: {  	s6 =	sshll.u32 s26, $0x1;
	_ =	strace $0x80000049;
	[dreg:$0x1] =	wrdreg $0xFFFFFFFF  }
0xb6: {  	s28 =	simm.s32 $_size_execute0_lowered;
	s4 =	sadd.s32 s4, s6;
	[dreg:$0x0] =	wrdreg $0x0  }
0xb7: {  	s6 =	sshll.u32 s28, $0x1;
	[dreg:$0x2] =	wrdreg s4  }
0xb8: {  	[dreg:$0x3] =	wrdreg s6  }
0xb9: {  	[dreg:$0x4] =	wrdreg $0xC0  }
0xba: {  	_ =	task [dreg:s22], $0x5FFFF  }
0xbb: {  	[dreg:$0x1] =	wrdreg $0xFFFFFFFF  }
0xbc: {  	[dreg:$0x0] =	wrdreg $0x60  }
0xbd: {  	[dreg:$0x2] =	wrdreg s18  }
0xbe: {  	[dreg:$0x3] =	wrdreg s24  }
0xbf: {  	[dreg:$0x4] =	wrdreg $0xA  }
0xc0: {  	_ =	task.clear_ibuf [dreg:s22], $0x5FFFF;
	_ =	strace $0x90000049  }
0xc1: {  	s29 =	simm.s32 $0xA;
	_ =	strace $0x8000004B  }
0xc2: {  	_ =	swait.ge [sflag:s29], $0x1  }
0xc3: {  	[sflag:s29] =	ssyncadd.s32 $0xFFFFFFFF  }
0xc4: {  	_ =	strace $0x9000004B  }
0xc5: {  	_ =	sfence  }
0xc6: {  	s30 =	sld [smem:$0x0];
	_ =	sdelay $0x2  }
0xc7: {  	s31 =	sshll.u32 s1, $0xD;
	s1 =	sshrl.u32 s1, $0x2  }
0xc8: {  	s4 =	sand.u32 $0x4000, s31;
	s1 =	sadd.s32 s1, s30  }
0xc9: {  	s0 =	sor.u32 s4, s0;
	s1 =	sshll.u32 s1, $0x11  }
0xca: {  	s0 =	sor.u32 s1, s0  }
0xcb: {  	s0 =	sadd.s32 $0x8F2B, s0  }
0xcc: {  	[sflag:s0] =	ssyncadd.remote.s32 $0x1  }
0xcd: {  	_ =	sfence.sel $0xFFFF  }
0xce: {  	[dreg:$0x0] =	wrdreg $0xFFFFFFFF;
	(pc) =	sbr.abs _section_cstart, $3  }
0xcf: {  	[dreg:$0x1] =	wrdreg $0xFFFFFFFF  }
0xd0: {  	_ =	task.clear_ibuf [dreg:s22], $0x2FFFF;
	_ =	strace $0x9FFFFFFF  }
0xd1: {  	(tm) =	ssettm $0x7FFFFFFF  }
tec
execute0_lowered:
.L_overlay_start_1:
0x0: {  	(tag) =	ssettag $0x1  }
0x1: {  	s1 =	srdreg.scid;
	s2 =	rddreg [dreg:$0x0]  }
0x2: {  	s0 =	stileid.u32;
	s4 =	rddreg [dreg:$0x1];
	s3 =	simm.s32 $0x0  }
0x3: {  	s11 =	simm.s32 $0xC00;
	s12 =	simm.s32 $0x3400;
	s13 =	simm.s32 $0x1  }
0x4: {  	s14 =	simm.s32 $0x2;
	s15 =	simm.s32 $0x980;
	s16 =	simm.s32 $0x0  }
0x5: {  	s6 =	sand.u32 $0x1, s1;
	s25 =	sshll.u32 s0, $0x1;
	s1 =	rddreg [dreg:$0x2]  }
0x6: {  	[smem:$0x7FF] =	sst s3;
	s29 =	smul.u32 $0xC800, s0;
	s5 =	sor.u32 s6, s25  }
0x7: {  	s9 =	sadd.s32 $0xD1000, s4;
	s8 =	ssub.s32 $0x2, s6;
	s7 =	smul.u32 $0x180, s5  }
0x8: {  	_ =	strace $0x8000004A;
	s26 =	sshrl.u32 s8, $0x1;
	s10 =	smul.u32 $0x6400, s5  }
0x9: {  	s31 =	smul.u32 $0x6400, s6;
	s28 =	ssub.s32 s8, s26;
	s8 =	sadd.s32 s29, s9  }
0xa: {  	s7 =	sadd.s32 s7, s4;
	s5 =	smax.u32 s28, $0x1;
	s30 =	sadd.s32 s9, s10  }
0xb: {  	s8 =	sadd.s32 s31, s8;
	s9 =	simm.s32 $0x3;
	s10 =	simm.s32 $0x50  }
0xc: {  	s4 =	sadd.s32 $0xCE000, s7;
	s6 =	sadd.s32 $0x5A00, s30;
	s7 =	sadd.s32 $0x5F00, s30  }
.LBB2_1:
0xd: {  	[tilespmem:s3], [sflag:$0x3] =	stream.linear.gather [hbm4b:s4+s3], $0xA00, $0x38;
	[tilespmem:$0x5C00] =	vst v63  }
0xe: {  	_ =	swait.ge [sflag:s9], $0xA00  }
0xf: {  	[sflag:s9] =	ssyncset.done $0x0  }
0x10: {  	[sflag:s9] =	ssyncadd.s32 $0xFFFFF600  }
0x11: {  	[tilespmem:s11], [sflag:$0x1] =	stream.indirect.gather [hbm4b:s2+s10], $0x80, s3, s10, $0xb8;
	[tilespmem:$0x5C00] =	vst v63  }
0x12: {  	s17 =	simm.s32 $0x80  }
0x13: {  	[tilespmem:s12], [sflag:$0x2] =	stream.indirect.gather [hbm4b:s2+s10], $0x80, s17, s10, $0xb8;
	[tilespmem:$0x5C00] =	vst v63  }
0x14: {  	_ =	swait.ge [sflag:s13], $0x2800  }
0x15: {  	[sflag:s13] =	ssyncset.done $0x0  }
0x16: {  	s18 =	sadd.s32 $0x0, s8;
	[sflag:s13] =	ssyncadd.s32 $0xFFFFD800  }
0x17: {  	[hbm4b:s18+s3] =	stream.linear.scatter [tilespmem:s11], [sflag:$0x3], $0x2800, $0x38;
	[tilespmem:$0x5C00] =	vst v63  }
0x18: {  	_ =	swait.ge [sflag:s9], $0x2800  }
0x19: {  	[sflag:s9] =	ssyncset.done $0x0  }
0x1a: {  	s19 =	simm.s32 $0x100;
	[sflag:s9] =	ssyncadd.s32 $0xFFFFD800  }
0x1b: {  	[tilespmem:s11], [sflag:$0x1] =	stream.indirect.gather [hbm4b:s2+s10], $0x80, s19, s10, $0xb8;
	[tilespmem:$0x5C00] =	vst v63  }
0x1c: {  	_ =	swait.ge [sflag:s14], $0x2800  }
0x1d: {  	[sflag:s14] =	ssyncset.done $0x0  }
0x1e: {  	s18 =	sadd.s32 $0x500, s18;
	[sflag:s14] =	ssyncadd.s32 $0xFFFFD800  }
0x1f: {  	[hbm4b:s18+s3] =	stream.linear.scatter [tilespmem:s12], [sflag:$0x3], $0x2800, $0x38;
	[tilespmem:$0x5C00] =	vst v63  }
0x20: {  	_ =	swait.ge [sflag:s9], $0x2800  }
0x21: {  	s18 =	simm.s32 $0xA00;
	[sflag:s9] =	ssyncset.done $0x0  }
.LBB2_2:
0x22: {  	p0 =	sne.s32 s18, $0x5000;
	[sflag:s9] =	ssyncadd.s32 $0xFFFFD800;
	s17 =	sadd.s32 $0x100, s17  }
0x23: {  	[tilespmem:s12], [sflag:$0x2] =	stream.indirect.gather [hbm4b:s2+s10], $0x80, s17, s10, $0xb8;
	[tilespmem:$0x5C00] =	vst v63  }
0x24: {  	s19 =	smov.u32 s18;
	s18 =	sadd.s32 $0xA00, s18;
	_ =	swait.ge [sflag:s13], $0x2800  }
0x25: {  	[sflag:s13] =	ssyncset.done $0x0  }
0x26: {  	s19 =	sadd.s32 s19, s8;
	[sflag:s13] =	ssyncadd.s32 $0xFFFFD800  }
0x27: {  	[hbm4b:s19+s3] =	stream.linear.scatter [tilespmem:s11], [sflag:$0x3], $0x2800, $0x38;
	[tilespmem:$0x5C00] =	vst v63  }
0x28: {  	_ =	swait.ge [sflag:s9], $0x2800  }
0x29: {  	[sflag:s9] =	ssyncset.done $0x0  }
0x2a: {  	s20 =	sadd.s32 $0x80, s17;
	[sflag:s9] =	ssyncadd.s32 $0xFFFFD800  }
0x2b: {  	[tilespmem:s11], [sflag:$0x1] =	stream.indirect.gather [hbm4b:s2+s10], $0x80, s20, s10, $0xb8;
	[tilespmem:$0x5C00] =	vst v63  }
0x2c: {  	_ =	swait.ge [sflag:s14], $0x2800  }
.Ltmp0:
0x2d: {  	[sflag:s14] =	ssyncset.done $0x0;
	(pc) =	sbr.rel @p0 .LBB2_2-.Ltmp0, $4  }
0x2e: {  	s19 =	sadd.s32 $0x500, s19;
	[sflag:s14] =	ssyncadd.s32 $0xFFFFD800  }
0x2f: {  	[hbm4b:s19+s3] =	stream.linear.scatter [tilespmem:s12], [sflag:$0x3], $0x2800, $0x38;
	[tilespmem:$0x5C00] =	vst v63  }
0x30: {  	_ =	swait.ge [sflag:s9], $0x2800  }
0x31: {  	[sflag:s9] =	ssyncset.done $0x0  }
0x32: {  	[sflag:s9] =	ssyncadd.s32 $0xFFFFD800  }
0x33: {  	[tilespmem:s12], [sflag:$0x2] =	stream.indirect.gather [hbm4b:s2+s10], $0x80, s15, s10, $0xb8;
	[tilespmem:$0x5C00] =	vst v63  }
0x34: {  	_ =	swait.ge [sflag:s13], $0x2800  }
0x35: {  	[sflag:s13] =	ssyncset.done $0x0  }
0x36: {  	[sflag:s13] =	ssyncadd.s32 $0xFFFFD800  }
0x37: {  	[hbm4b:s6+s3] =	stream.linear.scatter [tilespmem:s11], [sflag:$0x3], $0x2800, $0x38;
	[tilespmem:$0x5C00] =	vst v63  }
0x38: {  	_ =	swait.ge [sflag:s9], $0x2800  }
0x39: {  	[sflag:s9] =	ssyncset.done $0x0  }
0x3a: {  	[sflag:s9] =	ssyncadd.s32 $0xFFFFD800  }
0x3b: {  	s16 =	sadd.s32 $0x1, s16;
	_ =	swait.ge [sflag:s14], $0x2800  }
0x3c: {  	p0 =	sne.s32 s16, s5;
	[sflag:s14] =	ssyncset.done $0x0  }
.Ltmp1:
0x3d: {  	[sflag:s14] =	ssyncadd.s32 $0xFFFFD800;
	(pc) =	sbr.rel @p0 .LBB2_1-.Ltmp1, $4  }
0x3e: {  	[hbm4b:s7+s3] =	stream.linear.scatter [tilespmem:s12], [sflag:$0x3], $0x2800, $0x38;
	[tilespmem:$0x5C00] =	vst v63  }
0x3f: {  	_ =	swait.ge [sflag:s9], $0x2800  }
0x40: {  	[sflag:s9] =	ssyncset.done $0x0  }
0x41: {  	[sflag:s9] =	ssyncadd.s32 $0xFFFFD800  }
0x42: {  	_ =	sfence.sel $0x180000  }
0x43: {  	[bflag:$0x0] =	sbarrier.arrive $0xFFFF  }
0x44: {  	p0 =	sne.s32 s0, $0x0;
	_ =	strace $0x9000004A  }
0x45: {  	s0 =	sadd.s32 @!p0 $0x100000, s1;
	[bflag:$0x2] =	sbarrier.arrive $0xFFFF  }
0x46: {  	[sflag:s0] =	ssyncadd.tile.s32 @!p0 $0x1;
	_ =	shalt  }
.Lfunc_end2:
_tile_overlayer_lowered:
.L_overlay_start_2:
0x47: {  	(tag) =	ssettag $0x2  }
0x48: {  	s0 =	rddreg [dreg:$0x0];
	s2 =	stileid.u32  }
0x49: {  	s1 =	rddreg [dreg:$0x1];
	p0 =	sne.s32 s2, $0x0  }
0x4a: {  	s3 =	rddreg [dreg:$0x2];
	[bflag:$0x3] =	sbarrier.arrive $0xFFFF;
	s2 =	simm.s32 @!p0 $0x1C03  }
0x4b: {  	[timem:s3], [sflag:s2] =	dma.local @!p0 [hbm:s0], s1  }
0x4c: {  	s0 =	simm.s32 @!p0 $0x3  }
0x4d: {  	_ =	swait.ge @!p0 [sflag:s0], s1  }
0x4e: {  	s1 =	ssub.s32 @!p0 $0x0, s1;
	[sflag:s0] =	ssyncset.done @!p0 $0x0  }
0x4f: {  	[sflag:s0] =	ssyncadd.s32 @!p0 s1  }
0x50: {  	[bflag:$0x3] =	sbarrier.arrive $0xFFFF  }
0x51: {  	_ =	shalt  }

</sc_bundles>
